<compile_context>
chip_gen: v7x
topology: tpu7x:2x2x1
jax: 0.10.2.dev20260603
libtpu: 0.0.44.dev20260713+nightly
codegen_flags: <defaults>
</compile_context>

<pallas_src>
import functools
import math

import jax
import jax.numpy as jnp
from jax import lax
from jax.experimental import pallas as pl
from jax.experimental.pallas import tpu as pltpu


def _sum_l_body(x_ref, o_ref, *, l, c):
    x = x_ref[...]
    assert l % 4 == 0
    chunks = []
    for j in range(0, l, 4):
        acc = x[:, j * c:(j + 1) * c]
        for i in range(j + 1, j + 4):
            acc = acc + x[:, i * c:(i + 1) * c]
        chunks.append(acc)
    acc = chunks[0]
    for ch in chunks[1:]:
        acc = acc + ch
    o_ref[...] = acc


def _prefix_sum_lanes(z):
    m = z.shape[-1]
    sh = 1
    while sh < m:
        z = z + jnp.concatenate(
            [jnp.zeros_like(z[:, :sh]), z[:, : m - sh]], axis=-1)
        sh *= 2
    return z


def _softmax_lanes(v):
    mx = jnp.max(v, axis=-1, keepdims=True)
    e = jnp.exp(v - mx)
    return e / jnp.sum(e, axis=-1, keepdims=True)


def _adj_body(fcp_ref, xsb_ref, xsa_ref, mem_ref, o_ref, *, k, sqrt_c):
    w0 = fcp_ref[0, 0]
    w1 = fcp_ref[0, 1]
    bb = fcp_ref[0, 2]
    xsb = xsb_ref[0]
    xsa = xsa_ref[0]
    mem = mem_ref[...]

    l1 = jnp.maximum(
        jnp.dot(xsb, mem, preferred_element_type=jnp.float32,
                precision=lax.Precision.DEFAULT) / sqrt_c,
        0.0)
    a1 = _softmax_lanes(l1)
    l2 = jnp.maximum(
        lax.dot_general(xsb, xsa, (((1,), (1,)), ((), ())),
                        preferred_element_type=jnp.float32,
                        precision=lax.Precision.DEFAULT) / sqrt_c,
        0.0)
    a2 = _softmax_lanes(l2)
    a1b = a1.astype(jnp.bfloat16).astype(jnp.float32)
    a2b = a2.astype(jnp.bfloat16).astype(jnp.float32)
    v = (a1b * w0 + a2b * w1) + bb

    bits = lax.bitcast_convert_type(v, jnp.int32)
    bu = lax.bitcast_convert_type(v, jnp.uint32)
    ukey = jnp.where(bits < 0, ~bu, bu | jnp.uint32(0x80000000))

    r = v.shape[0]
    t = jnp.zeros((r, 1), dtype=jnp.uint32)
    for bit in range(31, -1, -1):
        cand = t | jnp.uint32(1 << bit)
        cnt = jnp.sum((ukey >= cand).astype(jnp.int32), axis=-1,
                      keepdims=True)
        t = jnp.where(cnt >= k, cand, t)

    gt = ukey > t
    cnt_gt = jnp.sum(gt.astype(jnp.int32), axis=-1, keepdims=True)
    need = k - cnt_gt
    eq = ukey == t
    ps = _prefix_sum_lanes(eq.astype(jnp.int32))
    mask = gt | (eq & (ps <= need))

    vm = jnp.where(mask, v, 0.0)
    o_ref[0] = _softmax_lanes(vm)


def kernel(x, memory, fc_w, fc_b):
    b, n, l, c = x.shape
    m = memory.shape[1]
    k = int(n * 0.8)
    sqrt_c = math.sqrt(c)

    x3 = x.reshape(b * n, l * c)
    ra = 512 if (b * n) % 512 == 0 else b * n
    xsum = pl.pallas_call(
        functools.partial(_sum_l_body, l=l, c=c),
        grid=((b * n) // ra,),
        in_specs=[pl.BlockSpec((ra, l * c), lambda i: (i, 0))],
        out_specs=pl.BlockSpec((ra, c), lambda i: (i, 0)),
        out_shape=jax.ShapeDtypeStruct((b * n, c), jnp.float32),
    )(x3).reshape(b, n, c)

    fcw = fc_w.astype(jnp.bfloat16).astype(jnp.float32)
    fcp = jnp.concatenate(
        [fcw.reshape(-1), fc_b.reshape(-1)]).reshape(1, 3)

    r = 256 if n % 256 == 0 else n
    body = functools.partial(_adj_body, k=k, sqrt_c=sqrt_c)
    out = pl.pallas_call(
        body,
        grid=(b, n // r),
        in_specs=[
            pl.BlockSpec(memory_space=pltpu.SMEM),
            pl.BlockSpec((1, r, c), lambda i, j: (i, j, 0)),
            pl.BlockSpec((1, n, c), lambda i, j: (i, 0, 0)),
            pl.BlockSpec((c, m), lambda i, j: (0, 0)),
        ],
        out_specs=pl.BlockSpec((1, r, m), lambda i, j: (i, j, 0)),
        out_shape=jax.ShapeDtypeStruct((b, n, m), jnp.float32),
    )(fcp, xsum, xsum, memory)
    return out

# --- scband reference (transcript-rebuilt; emitter-appended) ---
"""Pipeline reference for scband-graph-generator-55035710931542 (READ-ONLY COPY).

The authoritative reference and input builder live on the scoring server;
editing this copy changes nothing except your own understanding.
"""

import jax, jax.numpy as jnp
import numpy as np
import math


def setup_inputs(seed: int = 0) -> dict:
    key = jax.random.key(seed)
    k1, k2, k3, k4 = jax.random.split(key, 4)
    B, N, L, C = 16, 1024, 12, 128
    x = jax.random.normal(k1, (B, N, L, C), dtype=jnp.float32)
    # memory parameter [channels, num_nodes], xavier_uniform init
    bound = math.sqrt(6.0 / (C + N))
    memory = jax.random.uniform(k2, (C, N), minval=-bound, maxval=bound, dtype=jnp.float32)
    # fc = nn.Linear(2, 1)
    fcb = math.sqrt(1.0 / 2.0)
    fc_w = jax.random.uniform(k3, (1, 2), minval=-fcb, maxval=fcb, dtype=jnp.float32)
    fc_b = jax.random.uniform(k4, (1,), minval=-fcb, maxval=fcb, dtype=jnp.float32)
    return {"x": x, "memory": memory, "fc_w": fc_w, "fc_b": fc_b}


def reference(x, memory, fc_w, fc_b):
    # x: [B, N, L, C] -> permute(0,3,1,2) -> [B, C, N, L]
    xp = jnp.transpose(x, (0, 3, 1, 2))
    c = xp.shape[1]
    adj_dyn_1 = jax.nn.softmax(
        jax.nn.relu(jnp.einsum('bcnl,cm->bnm', xp, memory) / math.sqrt(c)), axis=-1)
    xs = xp.sum(-1)  # [B, C, N]
    adj_dyn_2 = jax.nn.softmax(
        jax.nn.relu(jnp.einsum('bcn,bcm->bnm', xs, xs) / math.sqrt(c)), axis=-1)
    adj_f = jnp.concatenate([adj_dyn_1[..., None], adj_dyn_2[..., None]], axis=-1)  # [B,N,M,2]
    adj_f = jnp.squeeze(adj_f @ fc_w.T + fc_b, -1)  # [B, N, M]
    kk = int(adj_f.shape[1] * 0.8)
    _, topk_idx = jax.lax.top_k(adj_f, kk)  # over last axis, like torch.topk(dim=-1)
    B_, N_, M_ = adj_f.shape
    flat_idx = topk_idx.reshape(B_ * N_, kk)
    rows = jnp.arange(B_ * N_)[:, None]
    mask = jnp.zeros((B_ * N_, M_), dtype=adj_f.dtype).at[rows, flat_idx].set(1.0)
    adj_f = adj_f * mask.reshape(B_, N_, M_)
    return jax.nn.softmax(adj_f, axis=-1)

if __name__ == "__main__":
    import jax
    _d = setup_inputs()
    print(jax.jit(kernel)(*tuple(_d.values())))

</pallas_src>

<mosaic_0001>
module attributes {stable_mosaic.version = 14 : i64} {
  func.func @_sum_l_body(%arg0: i32, %arg1: memref<512x1536xf32, #tpu.memory_space<vmem>>, %arg2: memref<512x128xf32, #tpu.memory_space<vmem>>) attributes {dimension_semantics = [#tpu.dimension_semantics<arbitrary>], iteration_bounds = array<i64: 32>, scalar_prefetch = 0 : i64, scratch_operands = 0 : i64, tpu.core_type = #tpu.core_type<tc>, window_params = [{transform_indices = @transform_0, window_bounds = array<i64: 512, 1536>}, {transform_indices = @transform_1, window_bounds = array<i64: 512, 128>}]} {
    %get3A = arith.constant 0 : index
    %get3A_0 = arith.constant 0 : index
    %get3A_1 = vector.load %arg1[%get3A, %get3A_0] : memref<512x1536xf32, #tpu.memory_space<vmem>>, vector<512x1536xf32>
    %slice3A = vector.extract_strided_slice %get3A_1 {offsets = [0, 0], sizes = [512, 128], strides = [1, 1]} : vector<512x1536xf32> to vector<512x128xf32>
    %slice3A_2 = vector.extract_strided_slice %get3A_1 {offsets = [0, 128], sizes = [512, 128], strides = [1, 1]} : vector<512x1536xf32> to vector<512x128xf32>
    %add3A = arith.addf %slice3A, %slice3A_2 : vector<512x128xf32>
    %slice3A_3 = vector.extract_strided_slice %get3A_1 {offsets = [0, 256], sizes = [512, 128], strides = [1, 1]} : vector<512x1536xf32> to vector<512x128xf32>
    %add3A_4 = arith.addf %add3A, %slice3A_3 : vector<512x128xf32>
    %slice3A_5 = vector.extract_strided_slice %get3A_1 {offsets = [0, 384], sizes = [512, 128], strides = [1, 1]} : vector<512x1536xf32> to vector<512x128xf32>
    %add3A_6 = arith.addf %add3A_4, %slice3A_5 : vector<512x128xf32>
    %slice3A_7 = vector.extract_strided_slice %get3A_1 {offsets = [0, 512], sizes = [512, 128], strides = [1, 1]} : vector<512x1536xf32> to vector<512x128xf32>
    %slice3A_8 = vector.extract_strided_slice %get3A_1 {offsets = [0, 640], sizes = [512, 128], strides = [1, 1]} : vector<512x1536xf32> to vector<512x128xf32>
    %add3A_9 = arith.addf %slice3A_7, %slice3A_8 : vector<512x128xf32>
    %slice3A_10 = vector.extract_strided_slice %get3A_1 {offsets = [0, 768], sizes = [512, 128], strides = [1, 1]} : vector<512x1536xf32> to vector<512x128xf32>
    %add3A_11 = arith.addf %add3A_9, %slice3A_10 : vector<512x128xf32>
    %slice3A_12 = vector.extract_strided_slice %get3A_1 {offsets = [0, 896], sizes = [512, 128], strides = [1, 1]} : vector<512x1536xf32> to vector<512x128xf32>
    %add3A_13 = arith.addf %add3A_11, %slice3A_12 : vector<512x128xf32>
    %slice3A_14 = vector.extract_strided_slice %get3A_1 {offsets = [0, 1024], sizes = [512, 128], strides = [1, 1]} : vector<512x1536xf32> to vector<512x128xf32>
    %slice3A_15 = vector.extract_strided_slice %get3A_1 {offsets = [0, 1152], sizes = [512, 128], strides = [1, 1]} : vector<512x1536xf32> to vector<512x128xf32>
    %add3A_16 = arith.addf %slice3A_14, %slice3A_15 : vector<512x128xf32>
    %slice3A_17 = vector.extract_strided_slice %get3A_1 {offsets = [0, 1280], sizes = [512, 128], strides = [1, 1]} : vector<512x1536xf32> to vector<512x128xf32>
    %add3A_18 = arith.addf %add3A_16, %slice3A_17 : vector<512x128xf32>
    %slice3A_19 = vector.extract_strided_slice %get3A_1 {offsets = [0, 1408], sizes = [512, 128], strides = [1, 1]} : vector<512x1536xf32> to vector<512x128xf32>
    %add3A_20 = arith.addf %add3A_18, %slice3A_19 : vector<512x128xf32>
    %add3A_21 = arith.addf %add3A_6, %add3A_13 : vector<512x128xf32>
    %add3A_22 = arith.addf %add3A_21, %add3A_20 : vector<512x128xf32>
    %swap3A = arith.constant 0 : index
    %swap3A_23 = arith.constant 0 : index
    %swap3A_24 = vector.load %arg2[%swap3A, %swap3A_23] : memref<512x128xf32, #tpu.memory_space<vmem>>, vector<512x128xf32>
    tpu.vector_store %arg2[%swap3A, %swap3A_23], %add3A_22 {strides = array<i32>} : memref<512x128xf32, #tpu.memory_space<vmem>>, vector<512x128xf32>,
    return
  }
  func.func @transform_0(%arg0: i32) -> (i32, i32) {
    %c0_i32 = arith.constant 0 : i32
    %c0_i32_0 = arith.constant 0 : i32
    return %arg0, %c0_i32 : i32, i32
  }
  func.func @transform_1(%arg0: i32) -> (i32, i32) {
    %c0_i32 = arith.constant 0 : i32
    %c0_i32_0 = arith.constant 0 : i32
    return %arg0, %c0_i32 : i32, i32
  }
}

module attributes {stable_mosaic.version = 14 : i64} {
  func.func @_adj_body(%arg0: i32, %arg1: i32, %arg2: memref<1x3xf32, #tpu.memory_space<smem>>, %arg3: memref<1x256x128xf32, #tpu.memory_space<vmem>>, %arg4: memref<1x1024x128xf32, #tpu.memory_space<vmem>>, %arg5: memref<128x1024xf32, #tpu.memory_space<vmem>>, %arg6: memref<1x256x1024xf32, #tpu.memory_space<vmem>>) attributes {dimension_semantics = [#tpu.dimension_semantics<arbitrary>, #tpu.dimension_semantics<arbitrary>], iteration_bounds = array<i64: 16, 4>, scalar_prefetch = 0 : i64, scratch_operands = 0 : i64, tpu.core_type = #tpu.core_type<tc>, window_params = [{transform_indices = @transform_0, window_bounds = array<i64: 1, 3>}, {transform_indices = @transform_1, window_bounds = array<i64: 1, 256, 128>}, {transform_indices = @transform_2, window_bounds = array<i64: 1, 1024, 128>}, {pipeline_mode = #tpu.pipeline_mode<synchronous>, transform_indices = @transform_3, window_bounds = array<i64: 128, 1024>}, {transform_indices = @transform_4, window_bounds = array<i64: 1, 256, 1024>}]} {
    %get3A = arith.constant 0 : index
    %get3A_0 = arith.constant 0 : index
    %get3A_1 = memref.load %arg2[%get3A, %get3A_0] : memref<1x3xf32, #tpu.memory_space<smem>>
    %get3A_2 = arith.constant 0 : index
    %get3A_3 = arith.constant 1 : index
    %get3A_4 = memref.load %arg2[%get3A_2, %get3A_3] : memref<1x3xf32, #tpu.memory_space<smem>>
    %get3A_5 = arith.constant 0 : index
    %get3A_6 = arith.constant 2 : index
    %get3A_7 = memref.load %arg2[%get3A_5, %get3A_6] : memref<1x3xf32, #tpu.memory_space<smem>>
    %get3A_8 = arith.constant 0 : index
    %get3A_9 = arith.constant 0 : index
    %get3A_10 = arith.constant 0 : index
    %get3A_11 = vector.load %arg3[%get3A_8, %get3A_9, %get3A_10] : memref<1x256x128xf32, #tpu.memory_space<vmem>>, vector<1x256x128xf32>
    %get3A_12 = vector.shape_cast %get3A_11 : vector<1x256x128xf32> to vector<256x128xf32>
    %get3A_13 = arith.constant 0 : index
    %get3A_14 = arith.constant 0 : index
    %get3A_15 = arith.constant 0 : index
    %get3A_16 = vector.load %arg4[%get3A_13, %get3A_14, %get3A_15] : memref<1x1024x128xf32, #tpu.memory_space<vmem>>, vector<1x1024x128xf32>
    %get3A_17 = vector.shape_cast %get3A_16 : vector<1x1024x128xf32> to vector<1024x128xf32>
    %get3A_18 = arith.constant 0 : index
    %get3A_19 = arith.constant 0 : index
    %get3A_20 = vector.load %arg5[%get3A_18, %get3A_19] : memref<128x1024xf32, #tpu.memory_space<vmem>>, vector<128x1024xf32>
    %dot_general3A = arith.constant dense<0.000000e+00> : vector<256x1024xf32>
    %dot_general3A_21 = tpu.matmul %get3A_12, %get3A_20, %dot_general3A {dimension_numbers = #tpu.dot_dimension_numbers<[1], [0], [0], [1], [0, 0, 1, 1], [], []>, transpose_lhs_hint = false} : vector<256x128xf32>, vector<128x1024xf32>, vector<256x1024xf32> -> vector<256x1024xf32>
    %div3A = arith.constant 11.3137083 : f32
    %div3A_22 = vector.broadcast %div3A : f32 to vector<256x1024xf32>
    %div3A_23 = arith.divf %dot_general3A_21, %div3A_22 : vector<256x1024xf32>
    %max3A = arith.constant 0.000000e+00 : f32
    %max3A_24 = vector.broadcast %max3A : f32 to vector<256x1024xf32>
    %max3A_25 = arith.maximumf %div3A_23, %max3A_24 : vector<256x1024xf32>
    %reduce_max3A = arith.constant dense<0xFF800000> : vector<256xf32>
    %reduce_max3A_26 = vector.multi_reduction <maximumf>, %max3A_25, %reduce_max3A [1] : vector<256x1024xf32> to vector<256xf32>
    %broadcast_in_dim3A = vector.shape_cast %reduce_max3A_26 : vector<256xf32> to vector<256x1xf32>
    %sub3A = vector.broadcast %broadcast_in_dim3A : vector<256x1xf32> to vector<256x1024xf32>
    %sub3A_27 = arith.subf %max3A_25, %sub3A : vector<256x1024xf32>
    %exp3A = math.exp %sub3A_27 : vector<256x1024xf32>
    %reduce_sum3A = arith.constant dense<0.000000e+00> : vector<256xf32>
    %reduce_sum3A_28 = vector.multi_reduction <add>, %exp3A, %reduce_sum3A [1] : vector<256x1024xf32> to vector<256xf32>
    %broadcast_in_dim3A_29 = vector.shape_cast %reduce_sum3A_28 : vector<256xf32> to vector<256x1xf32>
    %div3A_30 = vector.broadcast %broadcast_in_dim3A_29 : vector<256x1xf32> to vector<256x1024xf32>
    %div3A_31 = arith.divf %exp3A, %div3A_30 : vector<256x1024xf32>
    %dot_general3A_32 = arith.constant dense<0.000000e+00> : vector<256x1024xf32>
    %dot_general3A_33 = tpu.matmul %get3A_12, %get3A_17, %dot_general3A_32 {dimension_numbers = #tpu.dot_dimension_numbers<[1], [1], [0], [0], [0, 0, 1, 0], [], []>, transpose_lhs_hint = false} : vector<256x128xf32>, vector<1024x128xf32>, vector<256x1024xf32> -> vector<256x1024xf32>
    %div3A_34 = arith.constant 11.3137083 : f32
    %div3A_35 = vector.broadcast %div3A_34 : f32 to vector<256x1024xf32>
    %div3A_36 = arith.divf %dot_general3A_33, %div3A_35 : vector<256x1024xf32>
    %max3A_37 = arith.constant 0.000000e+00 : f32
    %max3A_38 = vector.broadcast %max3A_37 : f32 to vector<256x1024xf32>
    %max3A_39 = arith.maximumf %div3A_36, %max3A_38 : vector<256x1024xf32>
    %reduce_max3A_40 = arith.constant dense<0xFF800000> : vector<256xf32>
    %reduce_max3A_41 = vector.multi_reduction <maximumf>, %max3A_39, %reduce_max3A_40 [1] : vector<256x1024xf32> to vector<256xf32>
    %broadcast_in_dim3A_42 = vector.shape_cast %reduce_max3A_41 : vector<256xf32> to vector<256x1xf32>
    %sub3A_43 = vector.broadcast %broadcast_in_dim3A_42 : vector<256x1xf32> to vector<256x1024xf32>
    %sub3A_44 = arith.subf %max3A_39, %sub3A_43 : vector<256x1024xf32>
    %exp3A_45 = math.exp %sub3A_44 : vector<256x1024xf32>
    %reduce_sum3A_46 = arith.constant dense<0.000000e+00> : vector<256xf32>
    %reduce_sum3A_47 = vector.multi_reduction <add>, %exp3A_45, %reduce_sum3A_46 [1] : vector<256x1024xf32> to vector<256xf32>
    %broadcast_in_dim3A_48 = vector.shape_cast %reduce_sum3A_47 : vector<256xf32> to vector<256x1xf32>
    %div3A_49 = vector.broadcast %broadcast_in_dim3A_48 : vector<256x1xf32> to vector<256x1024xf32>
    %div3A_50 = arith.divf %exp3A_45, %div3A_49 : vector<256x1024xf32>
    %convert_element_type3A = arith.truncf %div3A_31 : vector<256x1024xf32> to vector<256x1024xbf16>
    %convert_element_type3A_51 = arith.extf %convert_element_type3A : vector<256x1024xbf16> to vector<256x1024xf32>
    %convert_element_type3A_52 = arith.truncf %div3A_50 : vector<256x1024xf32> to vector<256x1024xbf16>
    %convert_element_type3A_53 = arith.extf %convert_element_type3A_52 : vector<256x1024xbf16> to vector<256x1024xf32>
    %mul3A = vector.broadcast %get3A_1 : f32 to vector<256x1024xf32>
    %mul3A_54 = arith.mulf %convert_element_type3A_51, %mul3A : vector<256x1024xf32>
    %mul3A_55 = vector.broadcast %get3A_4 : f32 to vector<256x1024xf32>
    %mul3A_56 = arith.mulf %convert_element_type3A_53, %mul3A_55 : vector<256x1024xf32>
    %add3A = arith.addf %mul3A_54, %mul3A_56 : vector<256x1024xf32>
    %add3A_57 = vector.broadcast %get3A_7 : f32 to vector<256x1024xf32>
    %add3A_58 = arith.addf %add3A, %add3A_57 : vector<256x1024xf32>
    %bitcast_convert_type3A = tpu.bitcast %add3A_58 : vector<256x1024xf32> -> vector<256x1024xi32>
    %bitcast_convert_type3A_59 = tpu.bitcast %add3A_58 : vector<256x1024xf32> -> vector<256x1024xi32>
    %lt3A = arith.constant 0 : i32
    %lt3A_60 = vector.broadcast %lt3A : i32 to vector<256x1024xi32>
    %lt3A_61 = arith.cmpi slt, %bitcast_convert_type3A, %lt3A_60 : vector<256x1024xi32>
    %not3A = arith.constant dense<-1> : vector<256x1024xi32>
    %not3A_62 = arith.xori %bitcast_convert_type3A_59, %not3A : vector<256x1024xi32>
    %or3A = arith.constant -2147483648 : i32
    %or3A_63 = vector.broadcast %or3A : i32 to vector<256x1024xi32>
    %or3A_64 = arith.ori %bitcast_convert_type3A_59, %or3A_63 : vector<256x1024xi32>
    %select_n3A = arith.select %lt3A_61, %not3A_62, %or3A_64 : vector<256x1024xi1>, vector<256x1024xi32>
    %broadcast_in_dim3A_65 = arith.constant 0 : i32
    %broadcast_in_dim3A_66 = vector.broadcast %broadcast_in_dim3A_65 : i32 to vector<256x1xi32>
    %or3A_67 = arith.constant -2147483648 : i32
    %or3A_68 = vector.broadcast %or3A_67 : i32 to vector<256x1xi32>
    %or3A_69 = arith.ori %broadcast_in_dim3A_66, %or3A_68 : vector<256x1xi32>
    %ge3A = vector.broadcast %or3A_69 : vector<256x1xi32> to vector<256x1024xi32>
    %ge3A_70 = arith.cmpi uge, %select_n3A, %ge3A : vector<256x1024xi32>
    %convert_element_type3A_71 = arith.extui %ge3A_70 : vector<256x1024xi1> to vector<256x1024xi32>
    %reduce_sum3A_72 = arith.constant dense<0> : vector<256xi32>
    %reduce_sum3A_73 = vector.multi_reduction <add>, %convert_element_type3A_71, %reduce_sum3A_72 [1] : vector<256x1024xi32> to vector<256xi32>
    %broadcast_in_dim3A_74 = vector.shape_cast %reduce_sum3A_73 : vector<256xi32> to vector<256x1xi32>
    %ge3A_75 = arith.constant 819 : i32
    %ge3A_76 = vector.broadcast %ge3A_75 : i32 to vector<256x1xi32>
    %ge3A_77 = arith.cmpi sge, %broadcast_in_dim3A_74, %ge3A_76 : vector<256x1xi32>
    %select_n3A_78 = arith.select %ge3A_77, %or3A_69, %broadcast_in_dim3A_66 : vector<256x1xi1>, vector<256x1xi32>
    %or3A_79 = arith.constant 1073741824 : i32
    %or3A_80 = vector.broadcast %or3A_79 : i32 to vector<256x1xi32>
    %or3A_81 = arith.ori %select_n3A_78, %or3A_80 : vector<256x1xi32>
    %ge3A_82 = vector.broadcast %or3A_81 : vector<256x1xi32> to vector<256x1024xi32>
    %ge3A_83 = arith.cmpi uge, %select_n3A, %ge3A_82 : vector<256x1024xi32>
    %convert_element_type3A_84 = arith.extui %ge3A_83 : vector<256x1024xi1> to vector<256x1024xi32>
    %reduce_sum3A_85 = arith.constant dense<0> : vector<256xi32>
    %reduce_sum3A_86 = vector.multi_reduction <add>, %convert_element_type3A_84, %reduce_sum3A_85 [1] : vector<256x1024xi32> to vector<256xi32>
    %broadcast_in_dim3A_87 = vector.shape_cast %reduce_sum3A_86 : vector<256xi32> to vector<256x1xi32>
    %ge3A_88 = arith.constant 819 : i32
    %ge3A_89 = vector.broadcast %ge3A_88 : i32 to vector<256x1xi32>
    %ge3A_90 = arith.cmpi sge, %broadcast_in_dim3A_87, %ge3A_89 : vector<256x1xi32>
    %select_n3A_91 = arith.select %ge3A_90, %or3A_81, %select_n3A_78 : vector<256x1xi1>, vector<256x1xi32>
    %or3A_92 = arith.constant 536870912 : i32
    %or3A_93 = vector.broadcast %or3A_92 : i32 to vector<256x1xi32>
    %or3A_94 = arith.ori %select_n3A_91, %or3A_93 : vector<256x1xi32>
    %ge3A_95 = vector.broadcast %or3A_94 : vector<256x1xi32> to vector<256x1024xi32>
    %ge3A_96 = arith.cmpi uge, %select_n3A, %ge3A_95 : vector<256x1024xi32>
    %convert_element_type3A_97 = arith.extui %ge3A_96 : vector<256x1024xi1> to vector<256x1024xi32>
    %reduce_sum3A_98 = arith.constant dense<0> : vector<256xi32>
    %reduce_sum3A_99 = vector.multi_reduction <add>, %convert_element_type3A_97, %reduce_sum3A_98 [1] : vector<256x1024xi32> to vector<256xi32>
    %broadcast_in_dim3A_100 = vector.shape_cast %reduce_sum3A_99 : vector<256xi32> to vector<256x1xi32>
    %ge3A_101 = arith.constant 819 : i32
    %ge3A_102 = vector.broadcast %ge3A_101 : i32 to vector<256x1xi32>
    %ge3A_103 = arith.cmpi sge, %broadcast_in_dim3A_100, %ge3A_102 : vector<256x1xi32>
    %select_n3A_104 = arith.select %ge3A_103, %or3A_94, %select_n3A_91 : vector<256x1xi1>, vector<256x1xi32>
    %or3A_105 = arith.constant 268435456 : i32
    %or3A_106 = vector.broadcast %or3A_105 : i32 to vector<256x1xi32>
    %or3A_107 = arith.ori %select_n3A_104, %or3A_106 : vector<256x1xi32>
    %ge3A_108 = vector.broadcast %or3A_107 : vector<256x1xi32> to vector<256x1024xi32>
    %ge3A_109 = arith.cmpi uge, %select_n3A, %ge3A_108 : vector<256x1024xi32>
    %convert_element_type3A_110 = arith.extui %ge3A_109 : vector<256x1024xi1> to vector<256x1024xi32>
    %reduce_sum3A_111 = arith.constant dense<0> : vector<256xi32>
    %reduce_sum3A_112 = vector.multi_reduction <add>, %convert_element_type3A_110, %reduce_sum3A_111 [1] : vector<256x1024xi32> to vector<256xi32>
    %broadcast_in_dim3A_113 = vector.shape_cast %reduce_sum3A_112 : vector<256xi32> to vector<256x1xi32>
    %ge3A_114 = arith.constant 819 : i32
    %ge3A_115 = vector.broadcast %ge3A_114 : i32 to vector<256x1xi32>
    %ge3A_116 = arith.cmpi sge, %broadcast_in_dim3A_113, %ge3A_115 : vector<256x1xi32>
    %select_n3A_117 = arith.select %ge3A_116, %or3A_107, %select_n3A_104 : vector<256x1xi1>, vector<256x1xi32>
    %or3A_118 = arith.constant 134217728 : i32
    %or3A_119 = vector.broadcast %or3A_118 : i32 to vector<256x1xi32>
    %or3A_120 = arith.ori %select_n3A_117, %or3A_119 : vector<256x1xi32>
    %ge3A_121 = vector.broadcast %or3A_120 : vector<256x1xi32> to vector<256x1024xi32>
    %ge3A_122 = arith.cmpi uge, %select_n3A, %ge3A_121 : vector<256x1024xi32>
    %convert_element_type3A_123 = arith.extui %ge3A_122 : vector<256x1024xi1> to vector<256x1024xi32>
    %reduce_sum3A_124 = arith.constant dense<0> : vector<256xi32>
    %reduce_sum3A_125 = vector.multi_reduction <add>, %convert_element_type3A_123, %reduce_sum3A_124 [1] : vector<256x1024xi32> to vector<256xi32>
    %broadcast_in_dim3A_126 = vector.shape_cast %reduce_sum3A_125 : vector<256xi32> to vector<256x1xi32>
    %ge3A_127 = arith.constant 819 : i32
    %ge3A_128 = vector.broadcast %ge3A_127 : i32 to vector<256x1xi32>
    %ge3A_129 = arith.cmpi sge, %broadcast_in_dim3A_126, %ge3A_128 : vector<256x1xi32>
    %select_n3A_130 = arith.select %ge3A_129, %or3A_120, %select_n3A_117 : vector<256x1xi1>, vector<256x1xi32>
    %or3A_131 = arith.constant 67108864 : i32
    %or3A_132 = vector.broadcast %or3A_131 : i32 to vector<256x1xi32>
    %or3A_133 = arith.ori %select_n3A_130, %or3A_132 : vector<256x1xi32>
    %ge3A_134 = vector.broadcast %or3A_133 : vector<256x1xi32> to vector<256x1024xi32>
    %ge3A_135 = arith.cmpi uge, %select_n3A, %ge3A_134 : vector<256x1024xi32>
    %convert_element_type3A_136 = arith.extui %ge3A_135 : vector<256x1024xi1> to vector<256x1024xi32>
    %reduce_sum3A_137 = arith.constant dense<0> : vector<256xi32>
    %reduce_sum3A_138 = vector.multi_reduction <add>, %convert_element_type3A_136, %reduce_sum3A_137 [1] : vector<256x1024xi32> to vector<256xi32>
    %broadcast_in_dim3A_139 = vector.shape_cast %reduce_sum3A_138 : vector<256xi32> to vector<256x1xi32>
    %ge3A_140 = arith.constant 819 : i32
    %ge3A_141 = vector.broadcast %ge3A_140 : i32 to vector<256x1xi32>
    %ge3A_142 = arith.cmpi sge, %broadcast_in_dim3A_139, %ge3A_141 : vector<256x1xi32>
    %select_n3A_143 = arith.select %ge3A_142, %or3A_133, %select_n3A_130 : vector<256x1xi1>, vector<256x1xi32>
    %or3A_144 = arith.constant 33554432 : i32
    %or3A_145 = vector.broadcast %or3A_144 : i32 to vector<256x1xi32>
    %or3A_146 = arith.ori %select_n3A_143, %or3A_145 : vector<256x1xi32>
    %ge3A_147 = vector.broadcast %or3A_146 : vector<256x1xi32> to vector<256x1024xi32>
    %ge3A_148 = arith.cmpi uge, %select_n3A, %ge3A_147 : vector<256x1024xi32>
    %convert_element_type3A_149 = arith.extui %ge3A_148 : vector<256x1024xi1> to vector<256x1024xi32>
    %reduce_sum3A_150 = arith.constant dense<0> : vector<256xi32>
    %reduce_sum3A_151 = vector.multi_reduction <add>, %convert_element_type3A_149, %reduce_sum3A_150 [1] : vector<256x1024xi32> to vector<256xi32>
    %broadcast_in_dim3A_152 = vector.shape_cast %reduce_sum3A_151 : vector<256xi32> to vector<256x1xi32>
    %ge3A_153 = arith.constant 819 : i32
    %ge3A_154 = vector.broadcast %ge3A_153 : i32 to vector<256x1xi32>
    %ge3A_155 = arith.cmpi sge, %broadcast_in_dim3A_152, %ge3A_154 : vector<256x1xi32>
    %select_n3A_156 = arith.select %ge3A_155, %or3A_146, %select_n3A_143 : vector<256x1xi1>, vector<256x1xi32>
    %or3A_157 = arith.constant 16777216 : i32
    %or3A_158 = vector.broadcast %or3A_157 : i32 to vector<256x1xi32>
    %or3A_159 = arith.ori %select_n3A_156, %or3A_158 : vector<256x1xi32>
    %ge3A_160 = vector.broadcast %or3A_159 : vector<256x1xi32> to vector<256x1024xi32>
    %ge3A_161 = arith.cmpi uge, %select_n3A, %ge3A_160 : vector<256x1024xi32>
    %convert_element_type3A_162 = arith.extui %ge3A_161 : vector<256x1024xi1> to vector<256x1024xi32>
    %reduce_sum3A_163 = arith.constant dense<0> : vector<256xi32>
    %reduce_sum3A_164 = vector.multi_reduction <add>, %convert_element_type3A_162, %reduce_sum3A_163 [1] : vector<256x1024xi32> to vector<256xi32>
    %broadcast_in_dim3A_165 = vector.shape_cast %reduce_sum3A_164 : vector<256xi32> to vector<256x1xi32>
    %ge3A_166 = arith.constant 819 : i32
    %ge3A_167 = vector.broadcast %ge3A_166 : i32 to vector<256x1xi32>
    %ge3A_168 = arith.cmpi sge, %broadcast_in_dim3A_165, %ge3A_167 : vector<256x1xi32>
    %select_n3A_169 = arith.select %ge3A_168, %or3A_159, %select_n3A_156 : vector<256x1xi1>, vector<256x1xi32>
    %or3A_170 = arith.constant 8388608 : i32
    %or3A_171 = vector.broadcast %or3A_170 : i32 to vector<256x1xi32>
    %or3A_172 = arith.ori %select_n3A_169, %or3A_171 : vector<256x1xi32>
    %ge3A_173 = vector.broadcast %or3A_172 : vector<256x1xi32> to vector<256x1024xi32>
    %ge3A_174 = arith.cmpi uge, %select_n3A, %ge3A_173 : vector<256x1024xi32>
    %convert_element_type3A_175 = arith.extui %ge3A_174 : vector<256x1024xi1> to vector<256x1024xi32>
    %reduce_sum3A_176 = arith.constant dense<0> : vector<256xi32>
    %reduce_sum3A_177 = vector.multi_reduction <add>, %convert_element_type3A_175, %reduce_sum3A_176 [1] : vector<256x1024xi32> to vector<256xi32>
    %broadcast_in_dim3A_178 = vector.shape_cast %reduce_sum3A_177 : vector<256xi32> to vector<256x1xi32>
    %ge3A_179 = arith.constant 819 : i32
    %ge3A_180 = vector.broadcast %ge3A_179 : i32 to vector<256x1xi32>
    %ge3A_181 = arith.cmpi sge, %broadcast_in_dim3A_178, %ge3A_180 : vector<256x1xi32>
    %select_n3A_182 = arith.select %ge3A_181, %or3A_172, %select_n3A_169 : vector<256x1xi1>, vector<256x1xi32>
    %or3A_183 = arith.constant 4194304 : i32
    %or3A_184 = vector.broadcast %or3A_183 : i32 to vector<256x1xi32>
    %or3A_185 = arith.ori %select_n3A_182, %or3A_184 : vector<256x1xi32>
    %ge3A_186 = vector.broadcast %or3A_185 : vector<256x1xi32> to vector<256x1024xi32>
    %ge3A_187 = arith.cmpi uge, %select_n3A, %ge3A_186 : vector<256x1024xi32>
    %convert_element_type3A_188 = arith.extui %ge3A_187 : vector<256x1024xi1> to vector<256x1024xi32>
    %reduce_sum3A_189 = arith.constant dense<0> : vector<256xi32>
    %reduce_sum3A_190 = vector.multi_reduction <add>, %convert_element_type3A_188, %reduce_sum3A_189 [1] : vector<256x1024xi32> to vector<256xi32>
    %broadcast_in_dim3A_191 = vector.shape_cast %reduce_sum3A_190 : vector<256xi32> to vector<256x1xi32>
    %ge3A_192 = arith.constant 819 : i32
    %ge3A_193 = vector.broadcast %ge3A_192 : i32 to vector<256x1xi32>
    %ge3A_194 = arith.cmpi sge, %broadcast_in_dim3A_191, %ge3A_193 : vector<256x1xi32>
    %select_n3A_195 = arith.select %ge3A_194, %or3A_185, %select_n3A_182 : vector<256x1xi1>, vector<256x1xi32>
    %or3A_196 = arith.constant 2097152 : i32
    %or3A_197 = vector.broadcast %or3A_196 : i32 to vector<256x1xi32>
    %or3A_198 = arith.ori %select_n3A_195, %or3A_197 : vector<256x1xi32>
    %ge3A_199 = vector.broadcast %or3A_198 : vector<256x1xi32> to vector<256x1024xi32>
    %ge3A_200 = arith.cmpi uge, %select_n3A, %ge3A_199 : vector<256x1024xi32>
    %convert_element_type3A_201 = arith.extui %ge3A_200 : vector<256x1024xi1> to vector<256x1024xi32>
    %reduce_sum3A_202 = arith.constant dense<0> : vector<256xi32>
    %reduce_sum3A_203 = vector.multi_reduction <add>, %convert_element_type3A_201, %reduce_sum3A_202 [1] : vector<256x1024xi32> to vector<256xi32>
    %broadcast_in_dim3A_204 = vector.shape_cast %reduce_sum3A_203 : vector<256xi32> to vector<256x1xi32>
    %ge3A_205 = arith.constant 819 : i32
    %ge3A_206 = vector.broadcast %ge3A_205 : i32 to vector<256x1xi32>
    %ge3A_207 = arith.cmpi sge, %broadcast_in_dim3A_204, %ge3A_206 : vector<256x1xi32>
    %select_n3A_208 = arith.select %ge3A_207, %or3A_198, %select_n3A_195 : vector<256x1xi1>, vector<256x1xi32>
    %or3A_209 = arith.constant 1048576 : i32
    %or3A_210 = vector.broadcast %or3A_209 : i32 to vector<256x1xi32>
    %or3A_211 = arith.ori %select_n3A_208, %or3A_210 : vector<256x1xi32>
    %ge3A_212 = vector.broadcast %or3A_211 : vector<256x1xi32> to vector<256x1024xi32>
    %ge3A_213 = arith.cmpi uge, %select_n3A, %ge3A_212 : vector<256x1024xi32>
    %convert_element_type3A_214 = arith.extui %ge3A_213 : vector<256x1024xi1> to vector<256x1024xi32>
    %reduce_sum3A_215 = arith.constant dense<0> : vector<256xi32>
    %reduce_sum3A_216 = vector.multi_reduction <add>, %convert_element_type3A_214, %reduce_sum3A_215 [1] : vector<256x1024xi32> to vector<256xi32>
    %broadcast_in_dim3A_217 = vector.shape_cast %reduce_sum3A_216 : vector<256xi32> to vector<256x1xi32>
    %ge3A_218 = arith.constant 819 : i32
    %ge3A_219 = vector.broadcast %ge3A_218 : i32 to vector<256x1xi32>
    %ge3A_220 = arith.cmpi sge, %broadcast_in_dim3A_217, %ge3A_219 : vector<256x1xi32>
    %select_n3A_221 = arith.select %ge3A_220, %or3A_211, %select_n3A_208 : vector<256x1xi1>, vector<256x1xi32>
    %or3A_222 = arith.constant 524288 : i32
    %or3A_223 = vector.broadcast %or3A_222 : i32 to vector<256x1xi32>
    %or3A_224 = arith.ori %select_n3A_221, %or3A_223 : vector<256x1xi32>
    %ge3A_225 = vector.broadcast %or3A_224 : vector<256x1xi32> to vector<256x1024xi32>
    %ge3A_226 = arith.cmpi uge, %select_n3A, %ge3A_225 : vector<256x1024xi32>
    %convert_element_type3A_227 = arith.extui %ge3A_226 : vector<256x1024xi1> to vector<256x1024xi32>
    %reduce_sum3A_228 = arith.constant dense<0> : vector<256xi32>
    %reduce_sum3A_229 = vector.multi_reduction <add>, %convert_element_type3A_227, %reduce_sum3A_228 [1] : vector<256x1024xi32> to vector<256xi32>
    %broadcast_in_dim3A_230 = vector.shape_cast %reduce_sum3A_229 : vector<256xi32> to vector<256x1xi32>
    %ge3A_231 = arith.constant 819 : i32
    %ge3A_232 = vector.broadcast %ge3A_231 : i32 to vector<256x1xi32>
    %ge3A_233 = arith.cmpi sge, %broadcast_in_dim3A_230, %ge3A_232 : vector<256x1xi32>
    %select_n3A_234 = arith.select %ge3A_233, %or3A_224, %select_n3A_221 : vector<256x1xi1>, vector<256x1xi32>
    %or3A_235 = arith.constant 262144 : i32
    %or3A_236 = vector.broadcast %or3A_235 : i32 to vector<256x1xi32>
    %or3A_237 = arith.ori %select_n3A_234, %or3A_236 : vector<256x1xi32>
    %ge3A_238 = vector.broadcast %or3A_237 : vector<256x1xi32> to vector<256x1024xi32>
    %ge3A_239 = arith.cmpi uge, %select_n3A, %ge3A_238 : vector<256x1024xi32>
    %convert_element_type3A_240 = arith.extui %ge3A_239 : vector<256x1024xi1> to vector<256x1024xi32>
    %reduce_sum3A_241 = arith.constant dense<0> : vector<256xi32>
    %reduce_sum3A_242 = vector.multi_reduction <add>, %convert_element_type3A_240, %reduce_sum3A_241 [1] : vector<256x1024xi32> to vector<256xi32>
    %broadcast_in_dim3A_243 = vector.shape_cast %reduce_sum3A_242 : vector<256xi32> to vector<256x1xi32>
    %ge3A_244 = arith.constant 819 : i32
    %ge3A_245 = vector.broadcast %ge3A_244 : i32 to vector<256x1xi32>
    %ge3A_246 = arith.cmpi sge, %broadcast_in_dim3A_243, %ge3A_245 : vector<256x1xi32>
    %select_n3A_247 = arith.select %ge3A_246, %or3A_237, %select_n3A_234 : vector<256x1xi1>, vector<256x1xi32>
    %or3A_248 = arith.constant 131072 : i32
    %or3A_249 = vector.broadcast %or3A_248 : i32 to vector<256x1xi32>
    %or3A_250 = arith.ori %select_n3A_247, %or3A_249 : vector<256x1xi32>
    %ge3A_251 = vector.broadcast %or3A_250 : vector<256x1xi32> to vector<256x1024xi32>
    %ge3A_252 = arith.cmpi uge, %select_n3A, %ge3A_251 : vector<256x1024xi32>
    %convert_element_type3A_253 = arith.extui %ge3A_252 : vector<256x1024xi1> to vector<256x1024xi32>
    %reduce_sum3A_254 = arith.constant dense<0> : vector<256xi32>
    %reduce_sum3A_255 = vector.multi_reduction <add>, %convert_element_type3A_253, %reduce_sum3A_254 [1] : vector<256x1024xi32> to vector<256xi32>
    %broadcast_in_dim3A_256 = vector.shape_cast %reduce_sum3A_255 : vector<256xi32> to vector<256x1xi32>
    %ge3A_257 = arith.constant 819 : i32
    %ge3A_258 = vector.broadcast %ge3A_257 : i32 to vector<256x1xi32>
    %ge3A_259 = arith.cmpi sge, %broadcast_in_dim3A_256, %ge3A_258 : vector<256x1xi32>
    %select_n3A_260 = arith.select %ge3A_259, %or3A_250, %select_n3A_247 : vector<256x1xi1>, vector<256x1xi32>
    %or3A_261 = arith.constant 65536 : i32
    %or3A_262 = vector.broadcast %or3A_261 : i32 to vector<256x1xi32>
    %or3A_263 = arith.ori %select_n3A_260, %or3A_262 : vector<256x1xi32>
    %ge3A_264 = vector.broadcast %or3A_263 : vector<256x1xi32> to vector<256x1024xi32>
    %ge3A_265 = arith.cmpi uge, %select_n3A, %ge3A_264 : vector<256x1024xi32>
    %convert_element_type3A_266 = arith.extui %ge3A_265 : vector<256x1024xi1> to vector<256x1024xi32>
    %reduce_sum3A_267 = arith.constant dense<0> : vector<256xi32>
    %reduce_sum3A_268 = vector.multi_reduction <add>, %convert_element_type3A_266, %reduce_sum3A_267 [1] : vector<256x1024xi32> to vector<256xi32>
    %broadcast_in_dim3A_269 = vector.shape_cast %reduce_sum3A_268 : vector<256xi32> to vector<256x1xi32>
    %ge3A_270 = arith.constant 819 : i32
    %ge3A_271 = vector.broadcast %ge3A_270 : i32 to vector<256x1xi32>
    %ge3A_272 = arith.cmpi sge, %broadcast_in_dim3A_269, %ge3A_271 : vector<256x1xi32>
    %select_n3A_273 = arith.select %ge3A_272, %or3A_263, %select_n3A_260 : vector<256x1xi1>, vector<256x1xi32>
    %or3A_274 = arith.constant 32768 : i32
    %or3A_275 = vector.broadcast %or3A_274 : i32 to vector<256x1xi32>
    %or3A_276 = arith.ori %select_n3A_273, %or3A_275 : vector<256x1xi32>
    %ge3A_277 = vector.broadcast %or3A_276 : vector<256x1xi32> to vector<256x1024xi32>
    %ge3A_278 = arith.cmpi uge, %select_n3A, %ge3A_277 : vector<256x1024xi32>
    %convert_element_type3A_279 = arith.extui %ge3A_278 : vector<256x1024xi1> to vector<256x1024xi32>
    %reduce_sum3A_280 = arith.constant dense<0> : vector<256xi32>
    %reduce_sum3A_281 = vector.multi_reduction <add>, %convert_element_type3A_279, %reduce_sum3A_280 [1] : vector<256x1024xi32> to vector<256xi32>
    %broadcast_in_dim3A_282 = vector.shape_cast %reduce_sum3A_281 : vector<256xi32> to vector<256x1xi32>
    %ge3A_283 = arith.constant 819 : i32
    %ge3A_284 = vector.broadcast %ge3A_283 : i32 to vector<256x1xi32>
    %ge3A_285 = arith.cmpi sge, %broadcast_in_dim3A_282, %ge3A_284 : vector<256x1xi32>
    %select_n3A_286 = arith.select %ge3A_285, %or3A_276, %select_n3A_273 : vector<256x1xi1>, vector<256x1xi32>
    %or3A_287 = arith.constant 16384 : i32
    %or3A_288 = vector.broadcast %or3A_287 : i32 to vector<256x1xi32>
    %or3A_289 = arith.ori %select_n3A_286, %or3A_288 : vector<256x1xi32>
    %ge3A_290 = vector.broadcast %or3A_289 : vector<256x1xi32> to vector<256x1024xi32>
    %ge3A_291 = arith.cmpi uge, %select_n3A, %ge3A_290 : vector<256x1024xi32>
    %convert_element_type3A_292 = arith.extui %ge3A_291 : vector<256x1024xi1> to vector<256x1024xi32>
    %reduce_sum3A_293 = arith.constant dense<0> : vector<256xi32>
    %reduce_sum3A_294 = vector.multi_reduction <add>, %convert_element_type3A_292, %reduce_sum3A_293 [1] : vector<256x1024xi32> to vector<256xi32>
    %broadcast_in_dim3A_295 = vector.shape_cast %reduce_sum3A_294 : vector<256xi32> to vector<256x1xi32>
    %ge3A_296 = arith.constant 819 : i32
    %ge3A_297 = vector.broadcast %ge3A_296 : i32 to vector<256x1xi32>
    %ge3A_298 = arith.cmpi sge, %broadcast_in_dim3A_295, %ge3A_297 : vector<256x1xi32>
    %select_n3A_299 = arith.select %ge3A_298, %or3A_289, %select_n3A_286 : vector<256x1xi1>, vector<256x1xi32>
    %or3A_300 = arith.constant 8192 : i32
    %or3A_301 = vector.broadcast %or3A_300 : i32 to vector<256x1xi32>
    %or3A_302 = arith.ori %select_n3A_299, %or3A_301 : vector<256x1xi32>
    %ge3A_303 = vector.broadcast %or3A_302 : vector<256x1xi32> to vector<256x1024xi32>
    %ge3A_304 = arith.cmpi uge, %select_n3A, %ge3A_303 : vector<256x1024xi32>
    %convert_element_type3A_305 = arith.extui %ge3A_304 : vector<256x1024xi1> to vector<256x1024xi32>
    %reduce_sum3A_306 = arith.constant dense<0> : vector<256xi32>
    %reduce_sum3A_307 = vector.multi_reduction <add>, %convert_element_type3A_305, %reduce_sum3A_306 [1] : vector<256x1024xi32> to vector<256xi32>
    %broadcast_in_dim3A_308 = vector.shape_cast %reduce_sum3A_307 : vector<256xi32> to vector<256x1xi32>
    %ge3A_309 = arith.constant 819 : i32
    %ge3A_310 = vector.broadcast %ge3A_309 : i32 to vector<256x1xi32>
    %ge3A_311 = arith.cmpi sge, %broadcast_in_dim3A_308, %ge3A_310 : vector<256x1xi32>
    %select_n3A_312 = arith.select %ge3A_311, %or3A_302, %select_n3A_299 : vector<256x1xi1>, vector<256x1xi32>
    %or3A_313 = arith.constant 4096 : i32
    %or3A_314 = vector.broadcast %or3A_313 : i32 to vector<256x1xi32>
    %or3A_315 = arith.ori %select_n3A_312, %or3A_314 : vector<256x1xi32>
    %ge3A_316 = vector.broadcast %or3A_315 : vector<256x1xi32> to vector<256x1024xi32>
    %ge3A_317 = arith.cmpi uge, %select_n3A, %ge3A_316 : vector<256x1024xi32>
    %convert_element_type3A_318 = arith.extui %ge3A_317 : vector<256x1024xi1> to vector<256x1024xi32>
    %reduce_sum3A_319 = arith.constant dense<0> : vector<256xi32>
    %reduce_sum3A_320 = vector.multi_reduction <add>, %convert_element_type3A_318, %reduce_sum3A_319 [1] : vector<256x1024xi32> to vector<256xi32>
    %broadcast_in_dim3A_321 = vector.shape_cast %reduce_sum3A_320 : vector<256xi32> to vector<256x1xi32>
    %ge3A_322 = arith.constant 819 : i32
    %ge3A_323 = vector.broadcast %ge3A_322 : i32 to vector<256x1xi32>
    %ge3A_324 = arith.cmpi sge, %broadcast_in_dim3A_321, %ge3A_323 : vector<256x1xi32>
    %select_n3A_325 = arith.select %ge3A_324, %or3A_315, %select_n3A_312 : vector<256x1xi1>, vector<256x1xi32>
    %or3A_326 = arith.constant 2048 : i32
    %or3A_327 = vector.broadcast %or3A_326 : i32 to vector<256x1xi32>
    %or3A_328 = arith.ori %select_n3A_325, %or3A_327 : vector<256x1xi32>
    %ge3A_329 = vector.broadcast %or3A_328 : vector<256x1xi32> to vector<256x1024xi32>
    %ge3A_330 = arith.cmpi uge, %select_n3A, %ge3A_329 : vector<256x1024xi32>
    %convert_element_type3A_331 = arith.extui %ge3A_330 : vector<256x1024xi1> to vector<256x1024xi32>
    %reduce_sum3A_332 = arith.constant dense<0> : vector<256xi32>
    %reduce_sum3A_333 = vector.multi_reduction <add>, %convert_element_type3A_331, %reduce_sum3A_332 [1] : vector<256x1024xi32> to vector<256xi32>
    %broadcast_in_dim3A_334 = vector.shape_cast %reduce_sum3A_333 : vector<256xi32> to vector<256x1xi32>
    %ge3A_335 = arith.constant 819 : i32
    %ge3A_336 = vector.broadcast %ge3A_335 : i32 to vector<256x1xi32>
    %ge3A_337 = arith.cmpi sge, %broadcast_in_dim3A_334, %ge3A_336 : vector<256x1xi32>
    %select_n3A_338 = arith.select %ge3A_337, %or3A_328, %select_n3A_325 : vector<256x1xi1>, vector<256x1xi32>
    %or3A_339 = arith.constant 1024 : i32
    %or3A_340 = vector.broadcast %or3A_339 : i32 to vector<256x1xi32>
    %or3A_341 = arith.ori %select_n3A_338, %or3A_340 : vector<256x1xi32>
    %ge3A_342 = vector.broadcast %or3A_341 : vector<256x1xi32> to vector<256x1024xi32>
    %ge3A_343 = arith.cmpi uge, %select_n3A, %ge3A_342 : vector<256x1024xi32>
    %convert_element_type3A_344 = arith.extui %ge3A_343 : vector<256x1024xi1> to vector<256x1024xi32>
    %reduce_sum3A_345 = arith.constant dense<0> : vector<256xi32>
    %reduce_sum3A_346 = vector.multi_reduction <add>, %convert_element_type3A_344, %reduce_sum3A_345 [1] : vector<256x1024xi32> to vector<256xi32>
    %broadcast_in_dim3A_347 = vector.shape_cast %reduce_sum3A_346 : vector<256xi32> to vector<256x1xi32>
    %ge3A_348 = arith.constant 819 : i32
    %ge3A_349 = vector.broadcast %ge3A_348 : i32 to vector<256x1xi32>
    %ge3A_350 = arith.cmpi sge, %broadcast_in_dim3A_347, %ge3A_349 : vector<256x1xi32>
    %select_n3A_351 = arith.select %ge3A_350, %or3A_341, %select_n3A_338 : vector<256x1xi1>, vector<256x1xi32>
    %or3A_352 = arith.constant 512 : i32
    %or3A_353 = vector.broadcast %or3A_352 : i32 to vector<256x1xi32>
    %or3A_354 = arith.ori %select_n3A_351, %or3A_353 : vector<256x1xi32>
    %ge3A_355 = vector.broadcast %or3A_354 : vector<256x1xi32> to vector<256x1024xi32>
    %ge3A_356 = arith.cmpi uge, %select_n3A, %ge3A_355 : vector<256x1024xi32>
    %convert_element_type3A_357 = arith.extui %ge3A_356 : vector<256x1024xi1> to vector<256x1024xi32>
    %reduce_sum3A_358 = arith.constant dense<0> : vector<256xi32>
    %reduce_sum3A_359 = vector.multi_reduction <add>, %convert_element_type3A_357, %reduce_sum3A_358 [1] : vector<256x1024xi32> to vector<256xi32>
    %broadcast_in_dim3A_360 = vector.shape_cast %reduce_sum3A_359 : vector<256xi32> to vector<256x1xi32>
    %ge3A_361 = arith.constant 819 : i32
    %ge3A_362 = vector.broadcast %ge3A_361 : i32 to vector<256x1xi32>
    %ge3A_363 = arith.cmpi sge, %broadcast_in_dim3A_360, %ge3A_362 : vector<256x1xi32>
    %select_n3A_364 = arith.select %ge3A_363, %or3A_354, %select_n3A_351 : vector<256x1xi1>, vector<256x1xi32>
    %or3A_365 = arith.constant 256 : i32
    %or3A_366 = vector.broadcast %or3A_365 : i32 to vector<256x1xi32>
    %or3A_367 = arith.ori %select_n3A_364, %or3A_366 : vector<256x1xi32>
    %ge3A_368 = vector.broadcast %or3A_367 : vector<256x1xi32> to vector<256x1024xi32>
    %ge3A_369 = arith.cmpi uge, %select_n3A, %ge3A_368 : vector<256x1024xi32>
    %convert_element_type3A_370 = arith.extui %ge3A_369 : vector<256x1024xi1> to vector<256x1024xi32>
    %reduce_sum3A_371 = arith.constant dense<0> : vector<256xi32>
    %reduce_sum3A_372 = vector.multi_reduction <add>, %convert_element_type3A_370, %reduce_sum3A_371 [1] : vector<256x1024xi32> to vector<256xi32>
    %broadcast_in_dim3A_373 = vector.shape_cast %reduce_sum3A_372 : vector<256xi32> to vector<256x1xi32>
    %ge3A_374 = arith.constant 819 : i32
    %ge3A_375 = vector.broadcast %ge3A_374 : i32 to vector<256x1xi32>
    %ge3A_376 = arith.cmpi sge, %broadcast_in_dim3A_373, %ge3A_375 : vector<256x1xi32>
    %select_n3A_377 = arith.select %ge3A_376, %or3A_367, %select_n3A_364 : vector<256x1xi1>, vector<256x1xi32>
    %or3A_378 = arith.constant 128 : i32
    %or3A_379 = vector.broadcast %or3A_378 : i32 to vector<256x1xi32>
    %or3A_380 = arith.ori %select_n3A_377, %or3A_379 : vector<256x1xi32>
    %ge3A_381 = vector.broadcast %or3A_380 : vector<256x1xi32> to vector<256x1024xi32>
    %ge3A_382 = arith.cmpi uge, %select_n3A, %ge3A_381 : vector<256x1024xi32>
    %convert_element_type3A_383 = arith.extui %ge3A_382 : vector<256x1024xi1> to vector<256x1024xi32>
    %reduce_sum3A_384 = arith.constant dense<0> : vector<256xi32>
    %reduce_sum3A_385 = vector.multi_reduction <add>, %convert_element_type3A_383, %reduce_sum3A_384 [1] : vector<256x1024xi32> to vector<256xi32>
    %broadcast_in_dim3A_386 = vector.shape_cast %reduce_sum3A_385 : vector<256xi32> to vector<256x1xi32>
    %ge3A_387 = arith.constant 819 : i32
    %ge3A_388 = vector.broadcast %ge3A_387 : i32 to vector<256x1xi32>
    %ge3A_389 = arith.cmpi sge, %broadcast_in_dim3A_386, %ge3A_388 : vector<256x1xi32>
    %select_n3A_390 = arith.select %ge3A_389, %or3A_380, %select_n3A_377 : vector<256x1xi1>, vector<256x1xi32>
    %or3A_391 = arith.constant 64 : i32
    %or3A_392 = vector.broadcast %or3A_391 : i32 to vector<256x1xi32>
    %or3A_393 = arith.ori %select_n3A_390, %or3A_392 : vector<256x1xi32>
    %ge3A_394 = vector.broadcast %or3A_393 : vector<256x1xi32> to vector<256x1024xi32>
    %ge3A_395 = arith.cmpi uge, %select_n3A, %ge3A_394 : vector<256x1024xi32>
    %convert_element_type3A_396 = arith.extui %ge3A_395 : vector<256x1024xi1> to vector<256x1024xi32>
    %reduce_sum3A_397 = arith.constant dense<0> : vector<256xi32>
    %reduce_sum3A_398 = vector.multi_reduction <add>, %convert_element_type3A_396, %reduce_sum3A_397 [1] : vector<256x1024xi32> to vector<256xi32>
    %broadcast_in_dim3A_399 = vector.shape_cast %reduce_sum3A_398 : vector<256xi32> to vector<256x1xi32>
    %ge3A_400 = arith.constant 819 : i32
    %ge3A_401 = vector.broadcast %ge3A_400 : i32 to vector<256x1xi32>
    %ge3A_402 = arith.cmpi sge, %broadcast_in_dim3A_399, %ge3A_401 : vector<256x1xi32>
    %select_n3A_403 = arith.select %ge3A_402, %or3A_393, %select_n3A_390 : vector<256x1xi1>, vector<256x1xi32>
    %or3A_404 = arith.constant 32 : i32
    %or3A_405 = vector.broadcast %or3A_404 : i32 to vector<256x1xi32>
    %or3A_406 = arith.ori %select_n3A_403, %or3A_405 : vector<256x1xi32>
    %ge3A_407 = vector.broadcast %or3A_406 : vector<256x1xi32> to vector<256x1024xi32>
    %ge3A_408 = arith.cmpi uge, %select_n3A, %ge3A_407 : vector<256x1024xi32>
    %convert_element_type3A_409 = arith.extui %ge3A_408 : vector<256x1024xi1> to vector<256x1024xi32>
    %reduce_sum3A_410 = arith.constant dense<0> : vector<256xi32>
    %reduce_sum3A_411 = vector.multi_reduction <add>, %convert_element_type3A_409, %reduce_sum3A_410 [1] : vector<256x1024xi32> to vector<256xi32>
    %broadcast_in_dim3A_412 = vector.shape_cast %reduce_sum3A_411 : vector<256xi32> to vector<256x1xi32>
    %ge3A_413 = arith.constant 819 : i32
    %ge3A_414 = vector.broadcast %ge3A_413 : i32 to vector<256x1xi32>
    %ge3A_415 = arith.cmpi sge, %broadcast_in_dim3A_412, %ge3A_414 : vector<256x1xi32>
    %select_n3A_416 = arith.select %ge3A_415, %or3A_406, %select_n3A_403 : vector<256x1xi1>, vector<256x1xi32>
    %or3A_417 = arith.constant 16 : i32
    %or3A_418 = vector.broadcast %or3A_417 : i32 to vector<256x1xi32>
    %or3A_419 = arith.ori %select_n3A_416, %or3A_418 : vector<256x1xi32>
    %ge3A_420 = vector.broadcast %or3A_419 : vector<256x1xi32> to vector<256x1024xi32>
    %ge3A_421 = arith.cmpi uge, %select_n3A, %ge3A_420 : vector<256x1024xi32>
    %convert_element_type3A_422 = arith.extui %ge3A_421 : vector<256x1024xi1> to vector<256x1024xi32>
    %reduce_sum3A_423 = arith.constant dense<0> : vector<256xi32>
    %reduce_sum3A_424 = vector.multi_reduction <add>, %convert_element_type3A_422, %reduce_sum3A_423 [1] : vector<256x1024xi32> to vector<256xi32>
    %broadcast_in_dim3A_425 = vector.shape_cast %reduce_sum3A_424 : vector<256xi32> to vector<256x1xi32>
    %ge3A_426 = arith.constant 819 : i32
    %ge3A_427 = vector.broadcast %ge3A_426 : i32 to vector<256x1xi32>
    %ge3A_428 = arith.cmpi sge, %broadcast_in_dim3A_425, %ge3A_427 : vector<256x1xi32>
    %select_n3A_429 = arith.select %ge3A_428, %or3A_419, %select_n3A_416 : vector<256x1xi1>, vector<256x1xi32>
    %or3A_430 = arith.constant 8 : i32
    %or3A_431 = vector.broadcast %or3A_430 : i32 to vector<256x1xi32>
    %or3A_432 = arith.ori %select_n3A_429, %or3A_431 : vector<256x1xi32>
    %ge3A_433 = vector.broadcast %or3A_432 : vector<256x1xi32> to vector<256x1024xi32>
    %ge3A_434 = arith.cmpi uge, %select_n3A, %ge3A_433 : vector<256x1024xi32>
    %convert_element_type3A_435 = arith.extui %ge3A_434 : vector<256x1024xi1> to vector<256x1024xi32>
    %reduce_sum3A_436 = arith.constant dense<0> : vector<256xi32>
    %reduce_sum3A_437 = vector.multi_reduction <add>, %convert_element_type3A_435, %reduce_sum3A_436 [1] : vector<256x1024xi32> to vector<256xi32>
    %broadcast_in_dim3A_438 = vector.shape_cast %reduce_sum3A_437 : vector<256xi32> to vector<256x1xi32>
    %ge3A_439 = arith.constant 819 : i32
    %ge3A_440 = vector.broadcast %ge3A_439 : i32 to vector<256x1xi32>
    %ge3A_441 = arith.cmpi sge, %broadcast_in_dim3A_438, %ge3A_440 : vector<256x1xi32>
    %select_n3A_442 = arith.select %ge3A_441, %or3A_432, %select_n3A_429 : vector<256x1xi1>, vector<256x1xi32>
    %or3A_443 = arith.constant 4 : i32
    %or3A_444 = vector.broadcast %or3A_443 : i32 to vector<256x1xi32>
    %or3A_445 = arith.ori %select_n3A_442, %or3A_444 : vector<256x1xi32>
    %ge3A_446 = vector.broadcast %or3A_445 : vector<256x1xi32> to vector<256x1024xi32>
    %ge3A_447 = arith.cmpi uge, %select_n3A, %ge3A_446 : vector<256x1024xi32>
    %convert_element_type3A_448 = arith.extui %ge3A_447 : vector<256x1024xi1> to vector<256x1024xi32>
    %reduce_sum3A_449 = arith.constant dense<0> : vector<256xi32>
    %reduce_sum3A_450 = vector.multi_reduction <add>, %convert_element_type3A_448, %reduce_sum3A_449 [1] : vector<256x1024xi32> to vector<256xi32>
    %broadcast_in_dim3A_451 = vector.shape_cast %reduce_sum3A_450 : vector<256xi32> to vector<256x1xi32>
    %ge3A_452 = arith.constant 819 : i32
    %ge3A_453 = vector.broadcast %ge3A_452 : i32 to vector<256x1xi32>
    %ge3A_454 = arith.cmpi sge, %broadcast_in_dim3A_451, %ge3A_453 : vector<256x1xi32>
    %select_n3A_455 = arith.select %ge3A_454, %or3A_445, %select_n3A_442 : vector<256x1xi1>, vector<256x1xi32>
    %or3A_456 = arith.constant 2 : i32
    %or3A_457 = vector.broadcast %or3A_456 : i32 to vector<256x1xi32>
    %or3A_458 = arith.ori %select_n3A_455, %or3A_457 : vector<256x1xi32>
    %ge3A_459 = vector.broadcast %or3A_458 : vector<256x1xi32> to vector<256x1024xi32>
    %ge3A_460 = arith.cmpi uge, %select_n3A, %ge3A_459 : vector<256x1024xi32>
    %convert_element_type3A_461 = arith.extui %ge3A_460 : vector<256x1024xi1> to vector<256x1024xi32>
    %reduce_sum3A_462 = arith.constant dense<0> : vector<256xi32>
    %reduce_sum3A_463 = vector.multi_reduction <add>, %convert_element_type3A_461, %reduce_sum3A_462 [1] : vector<256x1024xi32> to vector<256xi32>
    %broadcast_in_dim3A_464 = vector.shape_cast %reduce_sum3A_463 : vector<256xi32> to vector<256x1xi32>
    %ge3A_465 = arith.constant 819 : i32
    %ge3A_466 = vector.broadcast %ge3A_465 : i32 to vector<256x1xi32>
    %ge3A_467 = arith.cmpi sge, %broadcast_in_dim3A_464, %ge3A_466 : vector<256x1xi32>
    %select_n3A_468 = arith.select %ge3A_467, %or3A_458, %select_n3A_455 : vector<256x1xi1>, vector<256x1xi32>
    %or3A_469 = arith.constant 1 : i32
    %or3A_470 = vector.broadcast %or3A_469 : i32 to vector<256x1xi32>
    %or3A_471 = arith.ori %select_n3A_468, %or3A_470 : vector<256x1xi32>
    %ge3A_472 = vector.broadcast %or3A_471 : vector<256x1xi32> to vector<256x1024xi32>
    %ge3A_473 = arith.cmpi uge, %select_n3A, %ge3A_472 : vector<256x1024xi32>
    %convert_element_type3A_474 = arith.extui %ge3A_473 : vector<256x1024xi1> to vector<256x1024xi32>
    %reduce_sum3A_475 = arith.constant dense<0> : vector<256xi32>
    %reduce_sum3A_476 = vector.multi_reduction <add>, %convert_element_type3A_474, %reduce_sum3A_475 [1] : vector<256x1024xi32> to vector<256xi32>
    %broadcast_in_dim3A_477 = vector.shape_cast %reduce_sum3A_476 : vector<256xi32> to vector<256x1xi32>
    %ge3A_478 = arith.constant 819 : i32
    %ge3A_479 = vector.broadcast %ge3A_478 : i32 to vector<256x1xi32>
    %ge3A_480 = arith.cmpi sge, %broadcast_in_dim3A_477, %ge3A_479 : vector<256x1xi32>
    %select_n3A_481 = arith.select %ge3A_480, %or3A_471, %select_n3A_468 : vector<256x1xi1>, vector<256x1xi32>
    %gt3A = vector.broadcast %select_n3A_481 : vector<256x1xi32> to vector<256x1024xi32>
    %gt3A_482 = arith.cmpi ugt, %select_n3A, %gt3A : vector<256x1024xi32>
    %convert_element_type3A_483 = arith.extui %gt3A_482 : vector<256x1024xi1> to vector<256x1024xi32>
    %reduce_sum3A_484 = arith.constant dense<0> : vector<256xi32>
    %reduce_sum3A_485 = vector.multi_reduction <add>, %convert_element_type3A_483, %reduce_sum3A_484 [1] : vector<256x1024xi32> to vector<256xi32>
    %broadcast_in_dim3A_486 = vector.shape_cast %reduce_sum3A_485 : vector<256xi32> to vector<256x1xi32>
    %sub3A_487 = arith.constant 819 : i32
    %sub3A_488 = vector.broadcast %sub3A_487 : i32 to vector<256x1xi32>
    %sub3A_489 = arith.subi %sub3A_488, %broadcast_in_dim3A_486 : vector<256x1xi32>
    %eq3A = vector.broadcast %select_n3A_481 : vector<256x1xi32> to vector<256x1024xi32>
    %eq3A_490 = arith.cmpi eq, %select_n3A, %eq3A : vector<256x1024xi32>
    %convert_element_type3A_491 = arith.extui %eq3A_490 : vector<256x1024xi1> to vector<256x1024xi32>
    %broadcast_in_dim3A_492 = arith.constant 0 : i32
    %broadcast_in_dim3A_493 = vector.broadcast %broadcast_in_dim3A_492 : i32 to vector<256x1xi32>
    %slice3A = vector.extract_strided_slice %convert_element_type3A_491 {offsets = [0, 0], sizes = [256, 1023], strides = [1, 1]} : vector<256x1024xi32> to vector<256x1023xi32>
    %concatenate3A = tpu.concatenate %broadcast_in_dim3A_493, %slice3A in 1 : vector<256x1xi32>, vector<256x1023xi32> -> vector<256x1024xi32>
    %add3A_494 = arith.addi %convert_element_type3A_491, %concatenate3A : vector<256x1024xi32>
    %broadcast_in_dim3A_495 = arith.constant 0 : i32
    %broadcast_in_dim3A_496 = vector.broadcast %broadcast_in_dim3A_495 : i32 to vector<256x2xi32>
    %slice3A_497 = vector.extract_strided_slice %add3A_494 {offsets = [0, 0], sizes = [256, 1022], strides = [1, 1]} : vector<256x1024xi32> to vector<256x1022xi32>
    %concatenate3A_498 = tpu.concatenate %broadcast_in_dim3A_496, %slice3A_497 in 1 : vector<256x2xi32>, vector<256x1022xi32> -> vector<256x1024xi32>
    %add3A_499 = arith.addi %add3A_494, %concatenate3A_498 : vector<256x1024xi32>
    %broadcast_in_dim3A_500 = arith.constant 0 : i32
    %broadcast_in_dim3A_501 = vector.broadcast %broadcast_in_dim3A_500 : i32 to vector<256x4xi32>
    %slice3A_502 = vector.extract_strided_slice %add3A_499 {offsets = [0, 0], sizes = [256, 1020], strides = [1, 1]} : vector<256x1024xi32> to vector<256x1020xi32>
    %concatenate3A_503 = tpu.concatenate %broadcast_in_dim3A_501, %slice3A_502 in 1 : vector<256x4xi32>, vector<256x1020xi32> -> vector<256x1024xi32>
    %add3A_504 = arith.addi %add3A_499, %concatenate3A_503 : vector<256x1024xi32>
    %broadcast_in_dim3A_505 = arith.constant 0 : i32
    %broadcast_in_dim3A_506 = vector.broadcast %broadcast_in_dim3A_505 : i32 to vector<256x8xi32>
    %slice3A_507 = vector.extract_strided_slice %add3A_504 {offsets = [0, 0], sizes = [256, 1016], strides = [1, 1]} : vector<256x1024xi32> to vector<256x1016xi32>
    %concatenate3A_508 = tpu.concatenate %broadcast_in_dim3A_506, %slice3A_507 in 1 : vector<256x8xi32>, vector<256x1016xi32> -> vector<256x1024xi32>
    %add3A_509 = arith.addi %add3A_504, %concatenate3A_508 : vector<256x1024xi32>
    %broadcast_in_dim3A_510 = arith.constant 0 : i32
    %broadcast_in_dim3A_511 = vector.broadcast %broadcast_in_dim3A_510 : i32 to vector<256x16xi32>
    %slice3A_512 = vector.extract_strided_slice %add3A_509 {offsets = [0, 0], sizes = [256, 1008], strides = [1, 1]} : vector<256x1024xi32> to vector<256x1008xi32>
    %concatenate3A_513 = tpu.concatenate %broadcast_in_dim3A_511, %slice3A_512 in 1 : vector<256x16xi32>, vector<256x1008xi32> -> vector<256x1024xi32>
    %add3A_514 = arith.addi %add3A_509, %concatenate3A_513 : vector<256x1024xi32>
    %broadcast_in_dim3A_515 = arith.constant 0 : i32
    %broadcast_in_dim3A_516 = vector.broadcast %broadcast_in_dim3A_515 : i32 to vector<256x32xi32>
    %slice3A_517 = vector.extract_strided_slice %add3A_514 {offsets = [0, 0], sizes = [256, 992], strides = [1, 1]} : vector<256x1024xi32> to vector<256x992xi32>
    %concatenate3A_518 = tpu.concatenate %broadcast_in_dim3A_516, %slice3A_517 in 1 : vector<256x32xi32>, vector<256x992xi32> -> vector<256x1024xi32>
    %add3A_519 = arith.addi %add3A_514, %concatenate3A_518 : vector<256x1024xi32>
    %broadcast_in_dim3A_520 = arith.constant 0 : i32
    %broadcast_in_dim3A_521 = vector.broadcast %broadcast_in_dim3A_520 : i32 to vector<256x64xi32>
    %slice3A_522 = vector.extract_strided_slice %add3A_519 {offsets = [0, 0], sizes = [256, 960], strides = [1, 1]} : vector<256x1024xi32> to vector<256x960xi32>
    %concatenate3A_523 = tpu.concatenate %broadcast_in_dim3A_521, %slice3A_522 in 1 : vector<256x64xi32>, vector<256x960xi32> -> vector<256x1024xi32>
    %add3A_524 = arith.addi %add3A_519, %concatenate3A_523 : vector<256x1024xi32>
    %broadcast_in_dim3A_525 = arith.constant 0 : i32
    %broadcast_in_dim3A_526 = vector.broadcast %broadcast_in_dim3A_525 : i32 to vector<256x128xi32>
    %slice3A_527 = vector.extract_strided_slice %add3A_524 {offsets = [0, 0], sizes = [256, 896], strides = [1, 1]} : vector<256x1024xi32> to vector<256x896xi32>
    %concatenate3A_528 = tpu.concatenate %broadcast_in_dim3A_526, %slice3A_527 in 1 : vector<256x128xi32>, vector<256x896xi32> -> vector<256x1024xi32>
    %add3A_529 = arith.addi %add3A_524, %concatenate3A_528 : vector<256x1024xi32>
    %broadcast_in_dim3A_530 = arith.constant 0 : i32
    %broadcast_in_dim3A_531 = vector.broadcast %broadcast_in_dim3A_530 : i32 to vector<256x256xi32>
    %slice3A_532 = vector.extract_strided_slice %add3A_529 {offsets = [0, 0], sizes = [256, 768], strides = [1, 1]} : vector<256x1024xi32> to vector<256x768xi32>
    %concatenate3A_533 = tpu.concatenate %broadcast_in_dim3A_531, %slice3A_532 in 1 : vector<256x256xi32>, vector<256x768xi32> -> vector<256x1024xi32>
    %add3A_534 = arith.addi %add3A_529, %concatenate3A_533 : vector<256x1024xi32>
    %broadcast_in_dim3A_535 = arith.constant 0 : i32
    %broadcast_in_dim3A_536 = vector.broadcast %broadcast_in_dim3A_535 : i32 to vector<256x512xi32>
    %slice3A_537 = vector.extract_strided_slice %add3A_534 {offsets = [0, 0], sizes = [256, 512], strides = [1, 1]} : vector<256x1024xi32> to vector<256x512xi32>
    %concatenate3A_538 = tpu.concatenate %broadcast_in_dim3A_536, %slice3A_537 in 1 : vector<256x512xi32>, vector<256x512xi32> -> vector<256x1024xi32>
    %add3A_539 = arith.addi %add3A_534, %concatenate3A_538 : vector<256x1024xi32>
    %le3A = vector.broadcast %sub3A_489 : vector<256x1xi32> to vector<256x1024xi32>
    %le3A_540 = arith.cmpi sle, %add3A_539, %le3A : vector<256x1024xi32>
    %and3A = arith.andi %eq3A_490, %le3A_540 : vector<256x1024xi1>
    %or3A_541 = arith.ori %gt3A_482, %and3A : vector<256x1024xi1>
    %jit3A = arith.constant 0.000000e+00 : f32
    %broadcast_in_dim3A_542 = vector.broadcast %jit3A : f32 to vector<256x1024xf32>
    %select_n3A_543 = arith.select %or3A_541, %add3A_58, %broadcast_in_dim3A_542 : vector<256x1024xi1>, vector<256x1024xf32>
    %reduce_max3A_544 = arith.constant dense<0xFF800000> : vector<256xf32>
    %reduce_max3A_545 = vector.multi_reduction <maximumf>, %select_n3A_543, %reduce_max3A_544 [1] : vector<256x1024xf32> to vector<256xf32>
    %broadcast_in_dim3A_546 = vector.shape_cast %reduce_max3A_545 : vector<256xf32> to vector<256x1xf32>
    %sub3A_547 = vector.broadcast %broadcast_in_dim3A_546 : vector<256x1xf32> to vector<256x1024xf32>
    %sub3A_548 = arith.subf %select_n3A_543, %sub3A_547 : vector<256x1024xf32>
    %exp3A_549 = math.exp %sub3A_548 : vector<256x1024xf32>
    %reduce_sum3A_550 = arith.constant dense<0.000000e+00> : vector<256xf32>
    %reduce_sum3A_551 = vector.multi_reduction <add>, %exp3A_549, %reduce_sum3A_550 [1] : vector<256x1024xf32> to vector<256xf32>
    %broadcast_in_dim3A_552 = vector.shape_cast %reduce_sum3A_551 : vector<256xf32> to vector<256x1xf32>
    %div3A_553 = vector.broadcast %broadcast_in_dim3A_552 : vector<256x1xf32> to vector<256x1024xf32>
    %div3A_554 = arith.divf %exp3A_549, %div3A_553 : vector<256x1024xf32>
    %swap3A = arith.constant 0 : index
    %swap3A_555 = arith.constant 0 : index
    %swap3A_556 = arith.constant 0 : index
    %swap3A_557 = vector.load %arg6[%swap3A, %swap3A_555, %swap3A_556] : memref<1x256x1024xf32, #tpu.memory_space<vmem>>, vector<1x256x1024xf32>
    %swap3A_558 = vector.shape_cast %swap3A_557 : vector<1x256x1024xf32> to vector<256x1024xf32>
    %swap3A_559 = vector.shape_cast %div3A_554 : vector<256x1024xf32> to vector<1x256x1024xf32>
    tpu.vector_store %arg6[%swap3A, %swap3A_555, %swap3A_556], %swap3A_559 {strides = array<i32>} : memref<1x256x1024xf32, #tpu.memory_space<vmem>>, vector<1x256x1024xf32>,
    return
  }
  func.func @transform_0(%arg0: i32, %arg1: i32) -> (i32, i32) {
    %c0_i32 = arith.constant 0 : i32
    %c0_i32_0 = arith.constant 0 : i32
    %c0_i32_1 = arith.constant 0 : i32
    return %c0_i32, %c0_i32_0 : i32, i32
  }
  func.func @transform_1(%arg0: i32, %arg1: i32) -> (i32, i32, i32) {
    %c0_i32 = arith.constant 0 : i32
    %c0_i32_0 = arith.constant 0 : i32
    return %arg0, %arg1, %c0_i32 : i32, i32, i32
  }
  func.func @transform_2(%arg0: i32, %arg1: i32) -> (i32, i32, i32) {
    %c0_i32 = arith.constant 0 : i32
    %c0_i32_0 = arith.constant 0 : i32
    %c0_i32_1 = arith.constant 0 : i32
    return %arg0, %c0_i32, %c0_i32_0 : i32, i32, i32
  }
  func.func @transform_3(%arg0: i32, %arg1: i32) -> (i32, i32) {
    %c0_i32 = arith.constant 0 : i32
    %c0_i32_0 = arith.constant 0 : i32
    %c0_i32_1 = arith.constant 0 : i32
    return %c0_i32, %c0_i32_0 : i32, i32
  }
  func.func @transform_4(%arg0: i32, %arg1: i32) -> (i32, i32, i32) {
    %c0_i32 = arith.constant 0 : i32
    %c0_i32_0 = arith.constant 0 : i32
    return %arg0, %arg1, %c0_i32 : i32, i32, i32
  }
}

</mosaic_0001>

<sc_bundles>
// kernel: sparse-core-data-format-call.1.cloned.1.call-start
scs
called_computation.1_lowered:
.L_overlay_start_0:
0x0: {  	s2 =	sld [smem:$0x3FD9]  }
0x1: {  	s3 =	sld [smem:$0x3FFE];
	_ =	sdelay $0x1  }
0x2: {  	s1 =	srdreg.scid  }
0x3: {  	s0 =	sand.u32 $0x1, s1  }
0x4: {  	s18 =	sshll.u32 s0, $0xA;
	s2 =	sadd.s32 s3, s2  }
0x5: {  	s2 =	sadd.s32 s2, s18  }
0x6: {  	[smem:$0x3FC4] =	sst s2  }
0x7: {  	_ = 	snop  }
0x8: {  	s2 =	sld [smem:$0x3FC9];
	(tm) =	ssettm $0x1  }
0x9: {  	s19 =	sld [smem:$0x3FFB];
	_ =	sdelay $0x3  }
0xa: {  	_ =	strace s19  }
0xb: {  	s3 =	sld [smem:$0x3FFC];
	_ =	sdelay $0x3  }
0xc: {  	_ =	strace s3  }
0xd: {  	s3 =	sld [smem:$0x3FFD];
	_ =	sdelay $0x3  }
0xe: {  	_ =	strace s3  }
0xf: {  	_ =	strace $0x8FFFFFFF  }
0x10: {  	s20 =	sld [smem:$0x3FDB];
	_ =	sdelay $0x1  }
0x11: {  	s4 =	simm.s32 $_scs_section_size  }
0x12: {  	s5 =	simm.s32 $_size__tile_overlayer_lowered;
	s6 =	simm.s32 $_tile_overlayer_lowered  }
0x13: {  	s23 =	simm.s32 $0x1BFF;
	s22 =	sshll.u32 s6, $0x1;
	s3 =	sadd.s32 s4, s20  }
0x14: {  	s7 =	simm.s32 $0x0;
	s21 =	sshll.u32 s5, $0x1;
	s5 =	sadd.s32 s22, s3  }
0x15: {  	[timem:s7], [sflag:s23] =	dma.local [hbm:s5], s21  }
0x16: {  	_ =	swait.ge [sflag:s23], s21  }
0x17: {  	s4 =	ssub.s32 $0x0, s21;
	[sflag:s23] =	ssyncset.done $0x0  }
0x18: {  	[sflag:s23] =	ssyncadd.s32 s4;
	_ =	sdelay $0x1  }
0x19: {  	s24 =	simm.s32 $0x1B8B  }
0x1a: {  	_ =	swait.ge [sflag:s24], $0x1  }
0x1b: {  	[sflag:s24] =	ssyncset.done $0x0  }
0x1c: {  	s26 =	simm.s32 $0x1B8E;
	s25 =	sld [smem:$0x3FFE];
	[sflag:s24] =	ssyncadd.s32 $0xFFFFFFFF  }
0x1d: {  	s27 =	simm.s32 $execute0_lowered;
	[smem:$0x3FD2] =	sst s26  }
0x1e: {  	s5 =	sshll.u32 s27, $0x1;
	_ =	strace $0x80000046;
	[dreg:$0x1] =	wrdreg $0xFFFFFFFF  }
0x1f: {  	s28 =	simm.s32 $_size_execute0_lowered;
	s3 =	sadd.s32 s3, s5;
	[dreg:$0x0] =	wrdreg $0x0  }
0x20: {  	s5 =	sshll.u32 s28, $0x1;
	[dreg:$0x2] =	wrdreg s3  }
0x21: {  	[dreg:$0x3] =	wrdreg s5  }
0x22: {  	[dreg:$0x4] =	wrdreg $0xC0  }
0x23: {  	_ =	task [dreg:s7], $0x5FFFF  }
0x24: {  	[dreg:$0x1] =	wrdreg $0xFFFFFFFF  }
0x25: {  	[dreg:$0x0] =	wrdreg $0x60  }
0x26: {  	[dreg:$0x2] =	wrdreg s2  }
0x27: {  	[dreg:$0x3] =	wrdreg s25  }
0x28: {  	[dreg:$0x4] =	wrdreg $0x9  }
0x29: {  	_ =	task.clear_ibuf [dreg:s7], $0x5FFFF;
	_ =	strace $0x90000046  }
0x2a: {  	s29 =	simm.s32 $0x9;
	_ =	strace $0x80000048  }
0x2b: {  	_ =	swait.ge [sflag:s29], $0x1  }
0x2c: {  	[sflag:s29] =	ssyncadd.s32 $0xFFFFFFFF  }
0x2d: {  	_ =	strace $0x90000048  }
0x2e: {  	_ =	sfence  }
0x2f: {  	s30 =	sld [smem:$0x0];
	_ =	sdelay $0x2  }
0x30: {  	s31 =	sshll.u32 s1, $0xD;
	s1 =	sshrl.u32 s1, $0x2  }
0x31: {  	s3 =	sand.u32 $0x4000, s31;
	s1 =	sadd.s32 s1, s30  }
0x32: {  	s0 =	sor.u32 s3, s0;
	s1 =	sshll.u32 s1, $0x11  }
0x33: {  	s0 =	sor.u32 s1, s0  }
0x34: {  	s0 =	sadd.s32 $0x8F2B, s0  }
0x35: {  	[sflag:s0] =	ssyncadd.remote.s32 $0x1  }
0x36: {  	_ =	sfence.sel $0xFFFF  }
0x37: {  	[dreg:$0x0] =	wrdreg $0xFFFFFFFF;
	(pc) =	sbr.abs _section_cstart, $3  }
0x38: {  	[dreg:$0x1] =	wrdreg $0xFFFFFFFF  }
0x39: {  	_ =	task.clear_ibuf [dreg:s7], $0x2FFFF;
	_ =	strace $0x9FFFFFFF  }
0x3a: {  	(tm) =	ssettm $0x7FFFFFFF  }
0x3b: {  	_ =	shalt  }
tec
execute0_lowered:
.L_overlay_start_1:
0x0: {  	(tag) =	ssettag $0x1  }
0x1: {  	s2 =	rddreg [dreg:$0x0]  }
0x2: {  	s0 =	srdreg.scid;
	s6 =	rddreg [dreg:$0x1];
	s7 =	simm.s32 $0x2  }
0x3: {  	s15 =	simm.s32 $0x0;
	s8 =	simm.s32 $0x80;
	s0 =	sshll.u32 s0, $0x7  }
0x4: {  	s9 =	simm.s32 $0x800;
	s10 =	simm.s32 $0x0;
	s1 =	sand.u32 $0x80, s0  }
0x5: {  	s16 =	simm.s32 $0x0;
	s17 =	simm.s32 $0x0;
	s0 =	ssub.s32 $0x400, s1  }
0x6: {  	s12 =	simm.s32 $0x0;
	s13 =	stileid.u32;
	s3 =	sshrl.u32 s0, $0x7  }
.Ltmp0:
0x7: {  	s4 =	sshrl.u32 s0, $0x8;
	s3 =	sand.u32 $0x1, s3;
	(pc) =	sbr.rel .LBB1_1-.Ltmp0, $4  }
0x8: {  	s14 =	simm.s32 $0x0;
	s0 =	rddreg [dreg:$0x2];
	s3 =	sadd.s32 s4, s3  }
0x9: {  	_ =	strace $0x80000047;
	s4 =	simm.s32 $0x1;
	s5 =	smul.u32 $0xC, s3  }
0xa: {  	s6 =	sadd.s32 $0xC00, s6;
	s11 =	smov.u32 s1;
	[sflag:s4] =	ssyncpa.u1 $0x0  }
0xb: {  	s3 =	stileid.u32;
	[sflag:s7] =	ssyncpa.u1 $0x0;
	s7 =	sor.u32 $0x1, s5  }
.LBB1_4:
0xc: {  	_ =	sdelay $0x3  }
0xd: {  	[tilespmem:v0+s19+$0xFFFFFFA0 ss:$0x1] =	vst.idx.msk $0xffff, v6  }
0xe: {  	v56 =	vld.idx.msk [tilespmem:v1+s20+$0x30 ss:$0x1], $0xffff;
	[tilespmem:v0+s19+$0xFFFFFFB0 ss:$0x1] =	vst.idx.msk $0xffff, v4  }
0xf: {  	v57 =	vld.idx.msk [tilespmem:v1+s20+$0xFFFFFFC0 ss:$0x1], $0xffff;
	[tilespmem:v0+s19+$0xFFFFFFC0 ss:$0x1] =	vst.idx.msk $0xffff, v2  }
0x10: {  	v58 =	vld.idx.msk [tilespmem:v1+s20+$0xFFFFFFD0 ss:$0x1], $0xffff;
	[tilespmem:v0+s19+$0xFFFFFFD0 ss:$0x1] =	vst.idx.msk $0xffff, v3  }
0x11: {  	v59 =	vld.idx.msk [tilespmem:v1+s20+$0xFFFFFFE0 ss:$0x1], $0xffff;
	[tilespmem:v0+s19+$0xFFFFFFE0 ss:$0x1] =	vst.idx.msk $0xffff, v5  }
0x12: {  	v60 =	vld.idx.msk [tilespmem:v1+s20+$0xFFFFFFF0 ss:$0x1], $0xffff;
	[tilespmem:v0+s19+$0xFFFFFFF0 ss:$0x1] =	vst.idx.msk $0xffff, v7  }
0x13: {  	v61 =	vld.idx.msk [tilespmem:v1+s20+$0x0 ss:$0x1], $0xffff;
	[tilespmem:v0+s20+$0x0 ss:$0x1] =	vst.idx.msk $0xffff, v56  }
0x14: {  	v62 =	vld.idx.msk [tilespmem:v1+s20+$0x10 ss:$0x1], $0xffff;
	[tilespmem:v0+s20+$0xFFFFFF90 ss:$0x1] =	vst.idx.msk $0xffff, v57  }
0x15: {  	v63 =	vld.idx.msk [tilespmem:v1+s20+$0x20 ss:$0x1], $0xffff;
	[tilespmem:v0+s20+$0xFFFFFFA0 ss:$0x1] =	vst.idx.msk $0xffff, v58  }
0x16: {  	[tilespmem:v0+s20+$0xFFFFFFB0 ss:$0x1] =	vst.idx.msk $0xffff, v59  }
0x17: {  	s17 =	sshll.u32 s17, $0x12;
	[tilespmem:v0+s20+$0xFFFFFFC0 ss:$0x1] =	vst.idx.msk $0xffff, v60  }
0x18: {  	s15 =	sshll.u32 s15, $0x8;
	s16 =	sshll.u32 s16, $0x4;
	s17 =	sadd.s32 s6, s17;
	[tilespmem:v0+s20+$0xFFFFFFD0 ss:$0x1] =	vst.idx.msk $0xffff, v61  }
0x19: {  	s16 =	sand.u32 $0xF0, s16;
	s15 =	sadd.s32 s15, s17;
	[tilespmem:v0+s20+$0xFFFFFFE0 ss:$0x1] =	vst.idx.msk $0xffff, v62  }
0x1a: {  	s15 =	sadd.s32 s16, s15;
	[tilespmem:v0+s20+$0xFFFFFFF0 ss:$0x1] =	vst.idx.msk $0xffff, v63  }
0x1b: {  	[hbm4b:s15+s8] =	stream.strided.scatter [tilespmem:s18], [sflag:$0x2], $0x4000, s9, s8, $0x38;
	[tilespmem:$0x10000] =	vst v63  }
.LBB1_5:
0x1c: {  	s18 =	sadd.s32 $0x100, s11  }
0x1d: {  	s15 =	simm.s32 $0x1;
	p1 =	sgt.s32 s18, $0x3FF  }
0x1e: {  	s15 =	simm.s32 @!p1 $0x0  }
0x1f: {  	s19 =	sadd.s32 s15, s12  }
0x20: {  	s21 =	smov.u32 s13;
	s15 =	sadd.s32 $0x10, s13;
	p2 =	sgt.s32 s19, $0xB  }
0x21: {  	s21 =	smov.u32 @p2 s15  }
0x22: {  	p0 =	slt.u32 s14, $0x2;
	s18 =	smov.u32 @p1 s1;
	p1 =	sgt.s32 s21, $0xF  }
0x23: {  	s20 =	simm.s32 @!p0 $0x2;
	s21 =	smov.u32 @p1 s3;
	p1 =	sne.s32 s14, s7  }
.Ltmp1:
0x24: {  	_ =	swait.ge @!p0 [sflag:s20], $0x4000;
	(pc) =	sbr.rel @!p1 .LBB1_6-.Ltmp1, $4  }
0x25: {  	s16 =	smov.u32 s12;
	[sflag:s20] =	ssyncset.done @!p0 $0x0  }
0x26: {  	s17 =	smov.u32 s13;
	s10 =	sadd.s32 $0x4000, s10;
	[sflag:s20] =	ssyncadd.s32 @!p0 $0xFFFFC000  }
0x27: {  	s19 =	simm.s32 @p2 $0x0;
	s15 =	smov.u32 s11;
	s11 =	smov.u32 s18  }
0x28: {  	s12 =	smov.u32 s19;
	s14 =	sadd.s32 $0x1, s14;
	s13 =	smov.u32 s21  }
.LBB1_1:
0x29: {  	p0 =	sge.u32 s14, s5  }
0x2a: {  	s18 =	smul.u32 @!p0 $0x30000, s13  }
0x2b: {  	s31 =	sadd.s32 $0xFFFFFFFF, s14;
	s19 =	sxor.u32 @!p0 $0xFFFFFFFF, s14  }
0x2c: {  	s20 =	sshll.u32 @!p0 s12, $0xE;
	s21 =	sshll.u32 @!p0 s11, $0x4;
	s18 =	sadd.s32 @!p0 s2, s18  }
0x2d: {  	s19 =	sshll.u32 @!p0 s19, $0xE;
	s21 =	sand.u32 @!p0 $0x3FF0, s21;
	s18 =	sadd.s32 @!p0 s20, s18  }
0x2e: {  	s19 =	sand.u32 @!p0 $0x4000, s19;
	s20 =	simm.s32 @!p0 $0x0;
	s18 =	sadd.s32 @!p0 s21, s18  }
0x2f: {  	[tilespmem:s19], [sflag:$0x1] =	stream.linear.gather @!p0 [hbm4b:s18+s20], $0x4000, $0x38;
	[tilespmem:$0x10000] =	vst v63  }
0x30: {  	p0 =	sge.u32 s31, s5  }
.Ltmp2:
0x31: {  	_ = 	snop;
	(pc) =	sbr.rel @p0 .LBB1_5-.Ltmp2, $1  }
0x32: {  	_ =	sdelay $0x3  }
0x33: {  	s18 =	sand.u32 $0x4000, s10  }
0x34: {  	s19 =	sor.u32 $0x40, s18  }
0x35: {  	v1 =	vmov s19;
	_ =	sdelay $0x1  }
0x36: {  	_ =	swait.ge [sflag:s4], $0x4000  }
0x37: {  	[sflag:s4] =	ssyncset.done $0x0  }
0x38: {  	[sflag:s4] =	ssyncadd.s32 $0xFFFFC000;
	s19 =	simm.s32 $0x0  }
0x39: {  	s18 =	sor.u32 $0x8070, s18;
	v7 =	vld.idx.msk [tilespmem:v1+s19+$0x30 ss:$0x1], $0xffff  }
0x3a: {  	v0 =	vmov s18;
	v8 =	vld.idx.msk [tilespmem:v1+s19+$0xFFFFFFC0 ss:$0x1], $0xffff  }
0x3b: {  	v6 =	vld.idx.msk [tilespmem:v1+s19+$0xFFFFFFD0 ss:$0x1], $0xffff  }
0x3c: {  	v4 =	vld.idx.msk [tilespmem:v1+s19+$0xFFFFFFE0 ss:$0x1], $0xffff  }
0x3d: {  	v2 =	vld.idx.msk [tilespmem:v1+s19+$0xFFFFFFF0 ss:$0x1], $0xffff  }
0x3e: {  	s31 =	sshll.u32 s14, $0xE;
	v3 =	vld.idx.msk [tilespmem:v1+s19+$0x0 ss:$0x1], $0xffff  }
0x3f: {  	s18 =	sand.u32 $0x4000, s31;
	v5 =	vld.idx.msk [tilespmem:v1+s19+$0x10 ss:$0x1], $0xffff;
	[tilespmem:v0+s19+$0x0 ss:$0x1] =	vst.idx.msk $0xffff, v7  }
0x40: {  	s20 =	simm.s32 $0x80;
	s21 =	simm.s32 $0x400;
	s18 =	sor.u32 $0x8000, s18;
	[tilespmem:v0+s19+$0xFFFFFF90 ss:$0x1] =	vst.idx.msk $0xffff, v8;
	v7 =	vld.idx.msk [tilespmem:v1+s19+$0x20 ss:$0x1], $0xffff  }
.LBB1_3:
0x41: {  	p0 =	sne.s32 s21, $0xFE00;
	v8 =	vld.idx.msk [tilespmem:v1+s20+$0x30 ss:$0x1], $0xffff;
	[tilespmem:v0+s19+$0xFFFFFFA0 ss:$0x1] =	vst.idx.msk $0xffff, v6  }
0x42: {  	v9 =	vld.idx.msk [tilespmem:v1+s20+$0xFFFFFFC0 ss:$0x1], $0xffff;
	[tilespmem:v0+s19+$0xFFFFFFB0 ss:$0x1] =	vst.idx.msk $0xffff, v4  }
0x43: {  	v6 =	vld.idx.msk [tilespmem:v1+s20+$0xFFFFFFD0 ss:$0x1], $0xffff;
	[tilespmem:v0+s19+$0xFFFFFFC0 ss:$0x1] =	vst.idx.msk $0xffff, v2  }
.Ltmp3:
0x44: {  	v4 =	vld.idx.msk [tilespmem:v1+s20+$0xFFFFFFE0 ss:$0x1], $0xffff;
	[tilespmem:v0+s19+$0xFFFFFFD0 ss:$0x1] =	vst.idx.msk $0xffff, v3;
	(pc) =	sbr.rel @p0 .LBB1_3-.Ltmp3, $4  }
0x45: {  	v2 =	vld.idx.msk [tilespmem:v1+s20+$0xFFFFFFF0 ss:$0x1], $0xffff;
	[tilespmem:v0+s19+$0xFFFFFFE0 ss:$0x1] =	vst.idx.msk $0xffff, v5  }
0x46: {  	v3 =	vld.idx.msk [tilespmem:v1+s20+$0x0 ss:$0x1], $0xffff;
	[tilespmem:v0+s19+$0xFFFFFFF0 ss:$0x1] =	vst.idx.msk $0xffff, v7;
	s19 =	smov.u32 s20  }
0x47: {  	v5 =	vld.idx.msk [tilespmem:v1+s19+$0x10 ss:$0x1], $0xffff;
	[tilespmem:v0+s19+$0x0 ss:$0x1] =	vst.idx.msk $0xffff, v8  }
0x48: {  	s20 =	sshra.s32 s21, $0x2;
	s21 =	sadd.s32 $0x200, s21;
	[tilespmem:v0+s19+$0xFFFFFF90 ss:$0x1] =	vst.idx.msk $0xffff, v9;
	v7 =	vld.idx.msk [tilespmem:v1+s19+$0x20 ss:$0x1], $0xffff  }
.Ltmp4:
0x49: {  	_ = 	snop;
	(pc) =	sbr.rel .LBB1_4-.Ltmp4, $1  }
0x4a: {  	_ =	sdelay $0x3  }
.LBB1_6:
0x4b: {  	_ =	sfence.sel $0x180000  }
0x4c: {  	s1 =	simm.s32 $0x1;
	[bflag:$0x0] =	sbarrier.arrive $0xFFFF  }
0x4d: {  	s31 =	simm.s32 $0x2;
	[sflag:s1] =	ssyncpa.u1 $0x1  }
0x4e: {  	[sflag:s31] =	ssyncpa.u1 $0x1  }
0x4f: {  	p0 =	sne.s32 s3, $0x0;
	_ =	strace $0x90000047  }
0x50: {  	s0 =	sadd.s32 @!p0 $0x100000, s0;
	[bflag:$0x2] =	sbarrier.arrive $0xFFFF  }
0x51: {  	[sflag:s0] =	ssyncadd.tile.s32 @!p0 $0x1;
	_ =	shalt  }
.Lfunc_end1:
_tile_overlayer_lowered:
.L_overlay_start_2:
0x52: {  	(tag) =	ssettag $0x2  }
0x53: {  	s0 =	rddreg [dreg:$0x0];
	s2 =	stileid.u32  }
0x54: {  	s1 =	rddreg [dreg:$0x1];
	p0 =	sne.s32 s2, $0x0  }
0x55: {  	s3 =	rddreg [dreg:$0x2];
	[bflag:$0x3] =	sbarrier.arrive $0xFFFF;
	s2 =	simm.s32 @!p0 $0x1C01  }
0x56: {  	[timem:s3], [sflag:s2] =	dma.local @!p0 [hbm:s0], s1  }
0x57: {  	s0 =	simm.s32 @!p0 $0x1  }
0x58: {  	_ =	swait.ge @!p0 [sflag:s0], s1  }
0x59: {  	s1 =	ssub.s32 @!p0 $0x0, s1;
	[sflag:s0] =	ssyncset.done @!p0 $0x0  }
0x5a: {  	[sflag:s0] =	ssyncadd.s32 @!p0 s1  }
0x5b: {  	[bflag:$0x3] =	sbarrier.arrive $0xFFFF  }
0x5c: {  	_ =	shalt  }

// kernel: sparse-core-data-format-call.cloned.1.call-start
scs
called_computation_lowered:
.L_overlay_start_0:
0x0: {  	s1 =	sld [smem:$0x3FD9]  }
0x1: {  	s2 =	sld [smem:$0x3FFE];
	_ =	sdelay $0x1  }
0x2: {  	s3 =	srdreg.scid  }
0x3: {  	s0 =	sand.u32 $0x1, s3  }
0x4: {  	s17 =	sshll.u32 s0, $0xA;
	s1 =	sadd.s32 s2, s1  }
0x5: {  	s1 =	sadd.s32 s1, s17  }
0x6: {  	[smem:$0x3FC4] =	sst s1  }
0x7: {  	_ = 	snop  }
0x8: {  	(tm) =	ssettm $0x1  }
0x9: {  	s18 =	sld [smem:$0x3FFB];
	_ =	sdelay $0x3  }
0xa: {  	_ =	strace s18  }
0xb: {  	s1 =	sld [smem:$0x3FFC];
	_ =	sdelay $0x3  }
0xc: {  	_ =	strace s1  }
0xd: {  	s1 =	sld [smem:$0x3FFD];
	_ =	sdelay $0x3  }
0xe: {  	_ =	strace s1  }
0xf: {  	_ =	strace $0x8FFFFFFF  }
0x10: {  	s19 =	sld [smem:$0x3FDB];
	_ =	sdelay $0x1  }
0x11: {  	s20 =	simm.s32 $_scs_section_size  }
0x12: {  	s4 =	simm.s32 $_size__tile_overlayer_lowered;
	s5 =	simm.s32 $_tile_overlayer_lowered  }
0x13: {  	s23 =	simm.s32 $0x1BFF;
	s22 =	sshll.u32 s5, $0x1;
	s1 =	sadd.s32 s20, s19  }
0x14: {  	s6 =	simm.s32 $0x0;
	s21 =	sshll.u32 s4, $0x1;
	s4 =	sadd.s32 s22, s1  }
0x15: {  	[timem:s6], [sflag:s23] =	dma.local [hbm:s4], s21  }
0x16: {  	_ =	swait.ge [sflag:s23], s21  }
0x17: {  	s2 =	ssub.s32 $0x0, s21;
	[sflag:s23] =	ssyncset.done $0x0  }
0x18: {  	[sflag:s23] =	ssyncadd.s32 s2;
	_ =	sdelay $0x1  }
0x19: {  	s24 =	simm.s32 $0x1B8B  }
0x1a: {  	_ =	swait.ge [sflag:s24], $0x1  }
0x1b: {  	[sflag:s24] =	ssyncset.done $0x0  }
0x1c: {  	s26 =	simm.s32 $0x1B8E;
	s25 =	sld [smem:$0x3FFE];
	[sflag:s24] =	ssyncadd.s32 $0xFFFFFFFF  }
0x1d: {  	s27 =	simm.s32 $execute0_lowered;
	[smem:$0x3FD2] =	sst s26  }
0x1e: {  	s4 =	sshll.u32 s27, $0x1;
	_ =	strace $0x80000049;
	[dreg:$0x1] =	wrdreg $0xFFFFFFFF  }
0x1f: {  	s28 =	simm.s32 $_size_execute0_lowered;
	s1 =	sadd.s32 s1, s4;
	[dreg:$0x0] =	wrdreg $0x0  }
0x20: {  	s4 =	sshll.u32 s28, $0x1;
	[dreg:$0x2] =	wrdreg s1  }
0x21: {  	[dreg:$0x3] =	wrdreg s4  }
0x22: {  	[dreg:$0x4] =	wrdreg $0xC0  }
0x23: {  	_ =	task [dreg:s6], $0x5FFFF  }
0x24: {  	[dreg:$0x1] =	wrdreg $0xFFFFFFFF  }
0x25: {  	[dreg:$0x0] =	wrdreg $0x60  }
0x26: {  	[dreg:$0x2] =	wrdreg s25  }
0x27: {  	[dreg:$0x3] =	wrdreg $0x9  }
0x28: {  	_ =	task.clear_ibuf [dreg:s6], $0x4FFFF;
	_ =	strace $0x90000049  }
0x29: {  	s29 =	simm.s32 $0x9;
	_ =	strace $0x8000004B  }
0x2a: {  	_ =	swait.ge [sflag:s29], $0x1  }
0x2b: {  	[sflag:s29] =	ssyncadd.s32 $0xFFFFFFFF  }
0x2c: {  	_ =	strace $0x9000004B  }
0x2d: {  	_ =	sfence  }
0x2e: {  	s30 =	sld [smem:$0x0];
	_ =	sdelay $0x2  }
0x2f: {  	s31 =	sshll.u32 s3, $0xD;
	s3 =	sshrl.u32 s3, $0x2  }
0x30: {  	s2 =	sand.u32 $0x4000, s31;
	s1 =	sadd.s32 s3, s30  }
0x31: {  	s0 =	sor.u32 s2, s0;
	s1 =	sshll.u32 s1, $0x11  }
0x32: {  	s0 =	sor.u32 s1, s0  }
0x33: {  	s0 =	sadd.s32 $0x8F2B, s0  }
0x34: {  	[sflag:s0] =	ssyncadd.remote.s32 $0x1  }
0x35: {  	_ =	sfence.sel $0xFFFF  }
0x36: {  	[dreg:$0x0] =	wrdreg $0xFFFFFFFF;
	(pc) =	sbr.abs _section_cstart, $3  }
0x37: {  	[dreg:$0x1] =	wrdreg $0xFFFFFFFF  }
0x38: {  	_ =	task.clear_ibuf [dreg:s6], $0x2FFFF;
	_ =	strace $0x9FFFFFFF  }
0x39: {  	(tm) =	ssettm $0x7FFFFFFF  }
tec
execute0_lowered:
.L_overlay_start_1:
0x0: {  	(tag) =	ssettag $0x1  }
0x1: {  	s0 =	srdreg.scid  }
0x2: {  	s1 =	sshll.u32 s0, $0x4  }
0x3: {  	s6 =	rddreg [dreg:$0x0];
	s0 =	stileid.u32;
	s1 =	sand.u32 $0x10, s1  }
0x4: {  	s7 =	simm.s32 $0x2;
	s15 =	simm.s32 $0x0;
	s1 =	sor.u32 s0, s1  }
0x5: {  	s8 =	simm.s32 $0x1000;
	s9 =	simm.s32 $0x3000;
	s2 =	sshll.u32 s1, $0x2  }
0x6: {  	s10 =	simm.s32 $0x0;
	s16 =	simm.s32 $0x0;
	s1 =	ssub.s32 $0x800, s2  }
0x7: {  	s17 =	simm.s32 $0x0;
	s11 =	simm.s32 $0x0;
	s3 =	sand.u32 $0x7C, s1  }
0x8: {  	s12 =	simm.s32 $0x0;
	p0 =	sne.s32 s3, $0x0;
	s3 =	simm.s32 $0x1  }
.Ltmp0:
0x9: {  	s4 =	sshrl.u32 s1, $0x7;
	s3 =	simm.s32 @!p0 $0x0;
	(pc) =	sbr.rel .LBB1_1-.Ltmp0, $4  }
0xa: {  	s14 =	simm.s32 $0x0;
	s1 =	rddreg [dreg:$0x1];
	s4 =	sadd.s32 s3, s4  }
0xb: {  	_ =	strace $0x8000004A;
	s3 =	simm.s32 $0x1;
	s4 =	smul.u32 $0x3, s4  }
0xc: {  	s5 =	sadd.s32 $0xC00, s6;
	s6 =	sadd.s32 $0x400C00, s6;
	[sflag:s3] =	ssyncpa.u1 $0x0  }
0xd: {  	s13 =	smov.u32 s2;
	[sflag:s7] =	ssyncpa.u1 $0x0;
	s7 =	sadd.s32 $0x1, s4  }
.LBB1_9:
0xe: {  	s18 =	sadd.s32 $0x4, s11  }
0xf: {  	s15 =	sadd.s32 $0x8, s12;
	s19 =	smov.u32 s12;
	p1 =	sgt.s32 s18, $0xB  }
0x10: {  	s19 =	smov.u32 @p1 s15  }
0x11: {  	s21 =	smov.u32 s13;
	s15 =	sadd.s32 $0x80, s13;
	p2 =	sgt.s32 s19, $0x7  }
0x12: {  	s21 =	smov.u32 @p2 s15  }
0x13: {  	s18 =	simm.s32 @p1 $0x0;
	p1 =	sgt.s32 s21, $0x7FF  }
0x14: {  	p0 =	slt.u32 s14, $0x2;
	s21 =	smov.u32 @p1 s2;
	p1 =	sne.s32 s14, s7  }
.Ltmp1:
0x15: {  	s20 =	simm.s32 @!p0 $0x2;
	(pc) =	sbr.rel @!p1 .LBB1_10-.Ltmp1, $4  }
0x16: {  	s16 =	smov.u32 s12;
	s17 =	smov.u32 s13;
	_ =	swait.ge @!p0 [sflag:s20], $0x4000  }
0x17: {  	s10 =	sadd.s32 $0x4000, s10;
	[sflag:s20] =	ssyncset.done @!p0 $0x0;
	s19 =	simm.s32 @p2 $0x0  }
0x18: {  	s15 =	smov.u32 s11;
	[sflag:s20] =	ssyncadd.s32 @!p0 $0xFFFFC000;
	s11 =	smov.u32 s18  }
0x19: {  	s12 =	smov.u32 s19;
	s14 =	sadd.s32 $0x1, s14;
	s13 =	smov.u32 s21  }
.LBB1_1:
0x1a: {  	p0 =	sge.u32 s14, s4;
	s31 =	sadd.s32 $0xFFFFFFFF, s14  }
0x1b: {  	s18 =	sxor.u32 @!p0 $0xFFFFFFFF, s14;
	s19 =	sshll.u32 @!p0 s13, $0xB;
	s20 =	sshll.u32 @!p0 s12, $0x8  }
0x1c: {  	s21 =	sshll.u32 @!p0 s11, $0x4;
	s18 =	sshll.u32 @!p0 s18, $0xE;
	s19 =	sadd.s32 @!p0 s5, s19  }
0x1d: {  	s21 =	sand.u32 @!p0 $0xF0, s21;
	s18 =	sand.u32 @!p0 $0x4000, s18;
	s19 =	sadd.s32 @!p0 s20, s19  }
0x1e: {  	s20 =	simm.s32 @!p0 $0x200;
	s19 =	sadd.s32 @!p0 s21, s19;
	s21 =	simm.s32 @!p0 $0x800  }
0x1f: {  	[tilespmem:s18], [sflag:$0x1] =	stream.strided.gather @!p0 [hbm4b:s19+s20], $0x4000, s21, s20, $0x38;
	[tilespmem:$0x10000] =	vst v63  }
0x20: {  	p0 =	sge.u32 s31, s4  }
.Ltmp2:
0x21: {  	_ = 	snop;
	(pc) =	sbr.rel @p0 .LBB1_9-.Ltmp2, $1  }
0x22: {  	_ =	sdelay $0x3  }
0x23: {  	s18 =	sand.u32 $0x4000, s10  }
0x24: {  	_ =	swait.ge [sflag:s3], $0x4000;
	s21 =	sshll.u32 s14, $0xE;
	s19 =	sor.u32 $0x8040, s18  }
0x25: {  	s20 =	sor.u32 $0x40, s18;
	[sflag:s3] =	ssyncset.done $0x0;
	s31 =	sand.u32 $0x4000, s21  }
0x26: {  	s21 =	simm.s32 $0x0;
	[sflag:s3] =	ssyncadd.s32 $0xFFFFC000;
	s18 =	sor.u32 $0x8000, s31  }
.LBB1_3:
0x27: {  	s22 =	smov.u32 s20;
	s23 =	smov.u32 s19;
	s24 =	simm.s32 $0x0  }
.LBB1_4:
0x28: {  	v0 =	vmov s22;
	_ =	sdelay $0x3  }
0x29: {  	s26 =	simm.s32 $0x0  }
0x2a: {  	v6 =	vld.idx.msk [tilespmem:v0+s26+$0x30 ss:$0x1], $0xffff  }
0x2b: {  	v7 =	vld.idx.msk [tilespmem:v0+s26+$0xFFFFFFC0 ss:$0x1], $0xffff  }
0x2c: {  	v5 =	vld.idx.msk [tilespmem:v0+s26+$0xFFFFFFD0 ss:$0x1], $0xffff  }
0x2d: {  	v4 =	vld.idx.msk [tilespmem:v0+s26+$0xFFFFFFE0 ss:$0x1], $0xffff  }
0x2e: {  	v3 =	vld.idx.msk [tilespmem:v0+s26+$0xFFFFFFF0 ss:$0x1], $0xffff  }
0x2f: {  	v1 =	vld.idx.msk [tilespmem:v0+s26+$0x0 ss:$0x1], $0xffff  }
0x30: {  	v2 =	vld.idx.msk [tilespmem:v0+s26+$0x10 ss:$0x1], $0xffff;
	[tilespmem:s23+$0x30] =	vst v6  }
0x31: {  	s25 =	simm.s32 $0x80;
	s27 =	simm.s32 $0x400;
	[tilespmem:s23+$0xFFFFFFC0] =	vst v7;
	v6 =	vld.idx.msk [tilespmem:v0+s26+$0x20 ss:$0x1], $0xffff;
	s26 =	smov.u32 s23  }
.LBB1_5:
0x32: {  	p0 =	sne.s32 s27, $0x600;
	v7 =	vld.idx.msk [tilespmem:v0+s25+$0x30 ss:$0x1], $0xffff;
	[tilespmem:s26+$0xFFFFFFD0] =	vst v5  }
0x33: {  	v8 =	vld.idx.msk [tilespmem:v0+s25+$0xFFFFFFC0 ss:$0x1], $0xffff;
	[tilespmem:s26+$0xFFFFFFE0] =	vst v4  }
0x34: {  	v5 =	vld.idx.msk [tilespmem:v0+s25+$0xFFFFFFD0 ss:$0x1], $0xffff;
	[tilespmem:s26+$0xFFFFFFF0] =	vst v3  }
.Ltmp3:
0x35: {  	v4 =	vld.idx.msk [tilespmem:v0+s25+$0xFFFFFFE0 ss:$0x1], $0xffff;
	[tilespmem:s26+$0x0] =	vst v1;
	(pc) =	sbr.rel @p0 .LBB1_5-.Ltmp3, $4  }
0x36: {  	v3 =	vld.idx.msk [tilespmem:v0+s25+$0xFFFFFFF0 ss:$0x1], $0xffff;
	[tilespmem:s26+$0x10] =	vst v2  }
0x37: {  	v1 =	vld.idx.msk [tilespmem:v0+s25+$0x0 ss:$0x1], $0xffff;
	[tilespmem:s26+$0x20] =	vst v6;
	s26 =	sadd.s32 $0x400, s26  }
0x38: {  	v2 =	vld.idx.msk [tilespmem:v0+s25+$0x10 ss:$0x1], $0xffff;
	[tilespmem:s26+$0x30] =	vst v7  }
0x39: {  	[tilespmem:s26+$0xFFFFFFC0] =	vst v8;
	v6 =	vld.idx.msk [tilespmem:v0+s25+$0x20 ss:$0x1], $0xffff;
	s25 =	sshra.s32 s27, $0x2;
	s27 =	sadd.s32 $0x200, s27  }
0x3a: {  	_ =	sdelay $0x2  }
0x3b: {  	[tilespmem:s26+$0xFFFFFFD0] =	vst v5  }
0x3c: {  	v56 =	vld.idx.msk [tilespmem:v0+s25+$0x30 ss:$0x1], $0xffff;
	[tilespmem:s26+$0xFFFFFFE0] =	vst v4  }
0x3d: {  	v57 =	vld.idx.msk [tilespmem:v0+s25+$0xFFFFFFC0 ss:$0x1], $0xffff;
	[tilespmem:s26+$0xFFFFFFF0] =	vst v3  }
0x3e: {  	v58 =	vld.idx.msk [tilespmem:v0+s25+$0xFFFFFFD0 ss:$0x1], $0xffff;
	[tilespmem:s26+$0x0] =	vst v1  }
0x3f: {  	v59 =	vld.idx.msk [tilespmem:v0+s25+$0xFFFFFFE0 ss:$0x1], $0xffff;
	[tilespmem:s26+$0x10] =	vst v2  }
0x40: {  	v60 =	vld.idx.msk [tilespmem:v0+s25+$0xFFFFFFF0 ss:$0x1], $0xffff;
	s31 =	sadd.s32 $0x400, s26;
	[tilespmem:s26+$0x20] =	vst v6  }
0x41: {  	v61 =	vld.idx.msk [tilespmem:v0+s25+$0x0 ss:$0x1], $0xffff;
	[tilespmem:s31+$0x30] =	vst v56  }
0x42: {  	v62 =	vld.idx.msk [tilespmem:v0+s25+$0x10 ss:$0x1], $0xffff;
	s24 =	sadd.s32 $0x1, s24;
	[tilespmem:s31+$0xFFFFFFC0] =	vst v57  }
0x43: {  	v63 =	vld.idx.msk [tilespmem:v0+s25+$0x20 ss:$0x1], $0xffff;
	p0 =	sne.s32 s24, $0x8;
	[tilespmem:s31+$0xFFFFFFD0] =	vst v58  }
.Ltmp4:
0x44: {  	[tilespmem:s31+$0xFFFFFFE0] =	vst v59;
	(pc) =	sbr.rel @p0 .LBB1_4-.Ltmp4, $4  }
0x45: {  	[tilespmem:s31+$0xFFFFFFF0] =	vst v60  }
0x46: {  	[tilespmem:s31+$0x0] =	vst v61  }
0x47: {  	[tilespmem:s31+$0x10] =	vst v62  }
0x48: {  	s23 =	sadd.s32 $0x80, s23;
	s22 =	sadd.s32 $0x200, s22;
	[tilespmem:s31+$0x20] =	vst v63  }
0x49: {  	s21 =	sadd.s32 $0x1, s21  }
0x4a: {  	p0 =	sne.s32 s21, $0x4  }
.Ltmp5:
0x4b: {  	_ = 	snop;
	(pc) =	sbr.rel @p0 .LBB1_3-.Ltmp5, $2  }
0x4c: {  	_ =	sdelay $0x2  }
0x4d: {  	s19 =	sadd.s32 $0x1000, s19;
	s20 =	sadd.s32 $0x1000, s20  }
0x4e: {  	s17 =	smul.u32 $0x600, s17  }
.Ltmp6:
0x4f: {  	_ = 	snop;
	(pc) =	sbr.rel .LBB1_9-.Ltmp6, $4  }
0x50: {  	s15 =	sshll.u32 s15, $0x7;
	s16 =	sshll.u32 s16, $0x4;
	s17 =	sadd.s32 s6, s17  }
0x51: {  	s16 =	sand.u32 $0x70, s16;
	s15 =	sadd.s32 s15, s17  }
0x52: {  	s15 =	sadd.s32 s16, s15  }
0x53: {  	[hbm4b:s15+s8] =	stream.strided.scatter [tilespmem:s18], [sflag:$0x2], $0x4000, s9, s8, $0x38;
	[tilespmem:$0x10000] =	vst v63  }
.LBB1_10:
0x54: {  	_ =	sfence.sel $0x180000  }
0x55: {  	s2 =	simm.s32 $0x1;
	[bflag:$0x0] =	sbarrier.arrive $0xFFFF  }
0x56: {  	s31 =	simm.s32 $0x2;
	[sflag:s2] =	ssyncpa.u1 $0x1  }
0x57: {  	[sflag:s31] =	ssyncpa.u1 $0x1  }
0x58: {  	p0 =	sne.s32 s0, $0x0;
	_ =	strace $0x9000004A  }
0x59: {  	s0 =	sadd.s32 @!p0 $0x100000, s1;
	[bflag:$0x2] =	sbarrier.arrive $0xFFFF  }
0x5a: {  	[sflag:s0] =	ssyncadd.tile.s32 @!p0 $0x1;
	_ =	shalt  }
.Lfunc_end1:
_tile_overlayer_lowered:
.L_overlay_start_2:
0x5b: {  	(tag) =	ssettag $0x2  }
0x5c: {  	s0 =	rddreg [dreg:$0x0];
	s2 =	stileid.u32  }
0x5d: {  	s1 =	rddreg [dreg:$0x1];
	p0 =	sne.s32 s2, $0x0  }
0x5e: {  	s3 =	rddreg [dreg:$0x2];
	[bflag:$0x3] =	sbarrier.arrive $0xFFFF;
	s2 =	simm.s32 @!p0 $0x1C01  }
0x5f: {  	[timem:s3], [sflag:s2] =	dma.local @!p0 [hbm:s0], s1  }
0x60: {  	s0 =	simm.s32 @!p0 $0x1  }
0x61: {  	_ =	swait.ge @!p0 [sflag:s0], s1  }
0x62: {  	s1 =	ssub.s32 @!p0 $0x0, s1;
	[sflag:s0] =	ssyncset.done @!p0 $0x0  }
0x63: {  	[sflag:s0] =	ssyncadd.s32 @!p0 s1  }
0x64: {  	[bflag:$0x3] =	sbarrier.arrive $0xFFFF  }
0x65: {  	_ =	shalt  }

</sc_bundles>
